<compile_context>
chip_gen: v7x
topology: tpu7x:2x2x1
jax: 0.10.2.dev20260603
libtpu: 0.0.44.dev20260713+nightly
codegen_flags: <defaults>
</compile_context>

<pallas_src>
import jax
import jax.numpy as jnp
from jax import lax
from jax.experimental import pallas as pl
from jax.experimental.pallas import tpu as pltpu
from jax.experimental.pallas import tpu_sc as plsc

_W_TABLE = (0.04834912, 0.40329467, 0.09588135, 0.23071379, 0.22176106)

_B, _Q, _C = 64, 4096, 5
_N = _B * _Q
_NC, _NS, _L = 2, 16, 16
_NW = _NC * _NS
_ROWS_W = _N // _NW
_GROUPS = _ROWS_W // _L

_LN2 = 0.6931471805599453


def _log_f32(s):
    bits = plsc.bitcast(s, jnp.int32)
    e = (bits >> 23) & 0xFF
    e = (e - 127).astype(jnp.float32)
    f = plsc.bitcast((bits & 0x007FFFFF) | 0x3F800000, jnp.float32)
    t = (f - 1.0) / (f + 1.0)
    t2 = t * t
    p = 1.0 + t2 * (1.0 / 3.0 + t2 * (0.2 + t2 * (1.0 / 7.0 + t2 * (1.0 / 9.0))))
    return 2.0 * t * p + e * _LN2


def _body(logits_hbm, targets_hbm, wtab_hbm, out_hbm, logits_v, targets_v,
          wtab_v, part_v):
    wid = lax.axis_index("s") * _NC + lax.axis_index("c")
    r0 = wid * _ROWS_W
    for c in range(_C):
        pltpu.sync_copy(logits_hbm.at[pl.ds(c * _N + r0, _ROWS_W)],
                        logits_v.at[pl.ds(c * _ROWS_W, _ROWS_W)])
    pltpu.sync_copy(targets_hbm.at[pl.ds(r0, _ROWS_W)], targets_v)
    pltpu.sync_copy(wtab_hbm, wtab_v)

    lane = lax.iota(jnp.int32, _L)

    def step(j, acc):
        wnll_a, w_a, corr_a, o_a, tb_a, otb_a = acc
        off = j * _L
        x0 = logits_v[pl.ds(off, _L)]
        x1 = logits_v[pl.ds(_ROWS_W + off, _L)]
        x2 = logits_v[pl.ds(2 * _ROWS_W + off, _L)]
        x3 = logits_v[pl.ds(3 * _ROWS_W + off, _L)]
        x4 = logits_v[pl.ds(4 * _ROWS_W + off, _L)]
        t = targets_v[pl.ds(off, _L)]

        pred = jnp.zeros((_L,), jnp.int32)
        best = x0
        for c, xc in ((1, x1), (2, x2), (3, x3), (4, x4)):
            gt = xc > best
            pred = jnp.where(gt, c, pred)
            best = jnp.where(gt, xc, best)

        s = (jnp.exp(x0 - best) + jnp.exp(x1 - best) + jnp.exp(x2 - best)
             + jnp.exp(x3 - best) + jnp.exp(x4 - best))
        lse = best + _log_f32(s)

        x_t = plsc.load_gather(logits_v, [t * _ROWS_W + off + lane])
        w = plsc.load_gather(wtab_v, [t])
        nll = lse - x_t

        one = jnp.ones((_L,), jnp.float32)
        zero = jnp.zeros((_L,), jnp.float32)
        o = jnp.where(pred >= 1, one, zero)
        tb = jnp.where(t >= 1, one, zero)
        return (wnll_a + w * nll,
                w_a + w,
                corr_a + jnp.where(pred == t, one, zero),
                o_a + o,
                tb_a + tb,
                otb_a + o * tb)

    zeros = jnp.zeros((_L,), jnp.float32)
    acc = lax.fori_loop(0, _GROUPS, step, (zeros,) * 6)
    for i in range(6):
        part_v[i] = acc[i]
    pltpu.sync_copy(part_v, out_hbm.at[wid])


@jax.jit
def kernel(src_logits, target_classes):
    lt = src_logits.transpose(2, 0, 1)
    lt = (lt.reshape(_C, _B // 8, 8, _Q // 128, 128)
            .transpose(0, 1, 3, 2, 4)
            .reshape(_C * _N))
    tt = (target_classes.astype(jnp.int32)
          .reshape(_B // 8, 8, _Q // 128, 128)
          .transpose(0, 2, 1, 3)
          .reshape(_N))
    wtab = jnp.array(_W_TABLE + (0.0, 0.0, 0.0), dtype=jnp.float32)

    mesh = plsc.VectorSubcoreMesh(core_axis_name="c", subcore_axis_name="s",
                                  num_cores=_NC, num_subcores=_NS)
    parts = pl.kernel(
        _body,
        out_type=jax.ShapeDtypeStruct((_NW, 6, _L), jnp.float32),
        mesh=mesh,
        scratch_types=[
            pltpu.VMEM((_C * _ROWS_W,), jnp.float32),
            pltpu.VMEM((_ROWS_W,), jnp.int32),
            pltpu.VMEM((8,), jnp.float32),
            pltpu.VMEM((6, _L), jnp.float32),
        ],
        compiler_params=pltpu.CompilerParams(needs_layout_passes=False),
    )(lt, tt, wtab)

    sums = parts.sum(axis=(0, 2))
    loss_class = sums[0] / sums[1]
    class_error = 100.0 - sums[2] * (100.0 / _N)
    precision = sums[5] / (sums[3] + 1e-08)
    recall = sums[5] / (sums[4] + 1e-08)
    f1 = 2.0 * (precision * recall) / (precision + recall + 1e-08)
    return (loss_class, class_error, f1)

# --- scband reference (transcript-rebuilt; emitter-appended) ---
"""Pipeline reference for scband-loss-80272938762732 (READ-ONLY COPY).

The authoritative reference and input builder live on the scoring server;
editing this copy changes nothing except your own understanding.
"""

import jax, jax.numpy as jnp
import numpy as np

CLASS_WEIGHTS = jnp.array([0.04834912, 0.40329467, 0.09588135, 0.23071379, 0.22176106], dtype=jnp.float32)
B, Q, C = 64, 4096, 5


def setup_inputs(seed: int = 0) -> dict:
    key = jax.random.key(seed)
    k1, k2 = jax.random.split(key)
    src_logits = jax.random.normal(k1, (B, Q, C), dtype=jnp.float32)
    target_classes = jax.random.randint(k2, (B, Q), 0, C, dtype=jnp.int64)
    return {"src_logits": src_logits, "target_classes": target_classes}


def _weighted_cross_entropy(logits, targets, weights):
    # matches torch.nn.functional.cross_entropy(..., weight=w, reduction='mean'):
    # sum(w[t] * nll) / sum(w[t])
    logp = jax.nn.log_softmax(logits, axis=-1)
    nll = -jnp.take_along_axis(logp, targets[..., None], axis=-1)[..., 0]
    w = jnp.take(weights, targets, axis=0)
    return jnp.sum(w * nll) / jnp.sum(w)


def _accuracy_top1(logits2d, targets1d):
    # accuracy(output, target, topk=(1,)) -> top-1 == argmax
    pred = jnp.argmax(logits2d, axis=-1)
    correct = (pred == targets1d).astype(jnp.float32).sum()
    return correct * (100.0 / targets1d.shape[0])


def _f1_score(output, target, threshold=0.5):
    o = output > threshold
    t = target > threshold
    tp = (o & t).sum().astype(jnp.float32)
    fp = (o & ~t).sum().astype(jnp.float32)
    fn = ((~o) & t).sum().astype(jnp.float32)
    precision = tp / (tp + fp + 1e-08)
    recall = tp / (tp + fn + 1e-08)
    return 2.0 * (precision * recall) / (precision + recall + 1e-08)


def reference(src_logits, target_classes):
    # _loss_class path: target_classes is the post-matcher dense target tensor
    # (background=0 everywhere except matched queries), provided directly.
    loss_class = _weighted_cross_entropy(src_logits, target_classes, CLASS_WEIGHTS)
    logits_flat = src_logits.reshape(-1, src_logits.shape[-1])
    targets_flat = target_classes.reshape(-1)
    class_error = 100.0 - _accuracy_top1(logits_flat, targets_flat)
    pred_cls = jnp.argmax(jax.nn.softmax(logits_flat, axis=-1), axis=-1).astype(jnp.float32)
    f1 = _f1_score(pred_cls, targets_flat.astype(jnp.float32), threshold=0.5)
    return (loss_class, class_error, f1)

if __name__ == "__main__":
    import jax
    _d = setup_inputs()
    print(jax.jit(kernel)(*tuple(_d.values())))

</pallas_src>

<mosaic_0001>
#map = affine_map<(d0, d1) -> (0)>
#map1 = affine_map<(d0, d1) -> (0, 0, 0)>
module attributes {stable_mosaic.version = 14 : i64} {
  func.func @_body(%arg0: i32, %arg1: i32, %arg2: memref<1310720xf32, #tpu.memory_space<hbm>>, %arg3: memref<262144xi32, #tpu.memory_space<hbm>>, %arg4: memref<8xf32, #tpu.memory_space<hbm>>, %arg5: memref<32x6x16xf32, #tpu.memory_space<hbm>>, %arg6: memref<40960xf32, #tpu.memory_space<vmem>>, %arg7: memref<8192xi32, #tpu.memory_space<vmem>>, %arg8: memref<8xf32, #tpu.memory_space<vmem>>, %arg9: memref<6x16xf32, #tpu.memory_space<vmem>>) attributes {dimension_semantics = [#tpu.dimension_semantics<core_parallel>, #tpu.dimension_semantics<subcore_parallel>], iteration_bounds = array<i64: 2, 16>, scalar_prefetch = 0 : i64, scratch_operands = 4 : i64, tpu.core_type = #tpu.core_type<sc_vector_subcore>, window_params = [{transform_indices = #map}, {transform_indices = #map}, {transform_indices = #map}, {transform_indices = #map1}]} {
    %mul3A = arith.constant 2 : i32
    %mul3A_0 = arith.muli %arg1, %mul3A : i32
    %add3A = arith.addi %mul3A_0, %arg0 : i32
    %mul3A_1 = arith.constant 8192 : i32
    %mul3A_2 = arith.muli %add3A, %mul3A_1 : i32
    %add3A_3 = arith.constant 0 : i32
    %add3A_4 = arith.addi %add3A_3, %mul3A_2 : i32
    "tpu.region"() ({
      %run_scoped3A = tpu.sem_alloc : memref<!tpu.dma_semaphore, #tpu.memory_space<semaphore_mem>>
      %dma_start3A = arith.constant 0 : i32
      %dma_start3A_42 = tpu.memref_slice %arg6[%dma_start3A] : memref<40960xf32, #tpu.memory_space<vmem>> -> memref<8192xf32, #tpu.memory_space<vmem>>
      %dma_start3A_43 = tpu.memref_slice %arg2[%add3A_4] : memref<1310720xf32, #tpu.memory_space<hbm>> -> memref<8192xf32, #tpu.memory_space<hbm>>
      %dma_start3A_44 = arith.constant 0 : i32
      %dma_start3A_45 = tpu.memref_slice %arg6[%dma_start3A_44] : memref<40960xf32, #tpu.memory_space<vmem>> -> memref<8192xf32, #tpu.memory_space<vmem>>
      %dma_start3A_46 = tpu.memref_slice %arg2[%add3A_4] : memref<1310720xf32, #tpu.memory_space<hbm>> -> memref<8192xf32, #tpu.memory_space<hbm>>
      tpu.enqueue_dma source(%dma_start3A_46 : memref<8192xf32, #tpu.memory_space<hbm>>) target(%dma_start3A_45 : memref<8192xf32, #tpu.memory_space<vmem>>) target_semaphore(%run_scoped3A : memref<!tpu.dma_semaphore, #tpu.memory_space<semaphore_mem>>)
      %dma_wait3A = arith.constant 0 : i32
      %dma_wait3A_47 = tpu.memref_slice %arg6[%dma_wait3A] : memref<40960xf32, #tpu.memory_space<vmem>> -> memref<8192xf32, #tpu.memory_space<vmem>>
      %dma_wait3A_48 = tpu.memref_slice %arg2[%add3A_4] : memref<1310720xf32, #tpu.memory_space<hbm>> -> memref<8192xf32, #tpu.memory_space<hbm>>
      %dma_wait3A_49 = arith.constant 0 : i32
      %dma_wait3A_50 = tpu.memref_slice %arg6[%dma_wait3A_49] : memref<40960xf32, #tpu.memory_space<vmem>> -> memref<8192xf32, #tpu.memory_space<vmem>>
      %dma_wait3A_51 = tpu.memref_slice %arg2[%add3A_4] : memref<1310720xf32, #tpu.memory_space<hbm>> -> memref<8192xf32, #tpu.memory_space<hbm>>
      tpu.wait_dma2 semaphore(%run_scoped3A : memref<!tpu.dma_semaphore, #tpu.memory_space<semaphore_mem>>) src(%dma_wait3A_51 : memref<8192xf32, #tpu.memory_space<hbm>>) dst(%dma_wait3A_50 : memref<8192xf32, #tpu.memory_space<vmem>>)
      tpu.yield
    }) : () -> ()
    %add3A_5 = arith.constant 262144 : i32
    %add3A_6 = arith.addi %add3A_5, %mul3A_2 : i32
    "tpu.region"() ({
      %run_scoped3A = tpu.sem_alloc : memref<!tpu.dma_semaphore, #tpu.memory_space<semaphore_mem>>
      %dma_start3A = arith.constant 8192 : i32
      %dma_start3A_42 = tpu.memref_slice %arg6[%dma_start3A] : memref<40960xf32, #tpu.memory_space<vmem>> -> memref<8192xf32, #tpu.memory_space<vmem>>
      %dma_start3A_43 = tpu.memref_slice %arg2[%add3A_6] : memref<1310720xf32, #tpu.memory_space<hbm>> -> memref<8192xf32, #tpu.memory_space<hbm>>
      %dma_start3A_44 = arith.constant 8192 : i32
      %dma_start3A_45 = tpu.memref_slice %arg6[%dma_start3A_44] : memref<40960xf32, #tpu.memory_space<vmem>> -> memref<8192xf32, #tpu.memory_space<vmem>>
      %dma_start3A_46 = tpu.memref_slice %arg2[%add3A_6] : memref<1310720xf32, #tpu.memory_space<hbm>> -> memref<8192xf32, #tpu.memory_space<hbm>>
      tpu.enqueue_dma source(%dma_start3A_46 : memref<8192xf32, #tpu.memory_space<hbm>>) target(%dma_start3A_45 : memref<8192xf32, #tpu.memory_space<vmem>>) target_semaphore(%run_scoped3A : memref<!tpu.dma_semaphore, #tpu.memory_space<semaphore_mem>>)
      %dma_wait3A = arith.constant 8192 : i32
      %dma_wait3A_47 = tpu.memref_slice %arg6[%dma_wait3A] : memref<40960xf32, #tpu.memory_space<vmem>> -> memref<8192xf32, #tpu.memory_space<vmem>>
      %dma_wait3A_48 = tpu.memref_slice %arg2[%add3A_6] : memref<1310720xf32, #tpu.memory_space<hbm>> -> memref<8192xf32, #tpu.memory_space<hbm>>
      %dma_wait3A_49 = arith.constant 8192 : i32
      %dma_wait3A_50 = tpu.memref_slice %arg6[%dma_wait3A_49] : memref<40960xf32, #tpu.memory_space<vmem>> -> memref<8192xf32, #tpu.memory_space<vmem>>
      %dma_wait3A_51 = tpu.memref_slice %arg2[%add3A_6] : memref<1310720xf32, #tpu.memory_space<hbm>> -> memref<8192xf32, #tpu.memory_space<hbm>>
      tpu.wait_dma2 semaphore(%run_scoped3A : memref<!tpu.dma_semaphore, #tpu.memory_space<semaphore_mem>>) src(%dma_wait3A_51 : memref<8192xf32, #tpu.memory_space<hbm>>) dst(%dma_wait3A_50 : memref<8192xf32, #tpu.memory_space<vmem>>)
      tpu.yield
    }) : () -> ()
    %add3A_7 = arith.constant 524288 : i32
    %add3A_8 = arith.addi %add3A_7, %mul3A_2 : i32
    "tpu.region"() ({
      %run_scoped3A = tpu.sem_alloc : memref<!tpu.dma_semaphore, #tpu.memory_space<semaphore_mem>>
      %dma_start3A = arith.constant 16384 : i32
      %dma_start3A_42 = tpu.memref_slice %arg6[%dma_start3A] : memref<40960xf32, #tpu.memory_space<vmem>> -> memref<8192xf32, #tpu.memory_space<vmem>>
      %dma_start3A_43 = tpu.memref_slice %arg2[%add3A_8] : memref<1310720xf32, #tpu.memory_space<hbm>> -> memref<8192xf32, #tpu.memory_space<hbm>>
      %dma_start3A_44 = arith.constant 16384 : i32
      %dma_start3A_45 = tpu.memref_slice %arg6[%dma_start3A_44] : memref<40960xf32, #tpu.memory_space<vmem>> -> memref<8192xf32, #tpu.memory_space<vmem>>
      %dma_start3A_46 = tpu.memref_slice %arg2[%add3A_8] : memref<1310720xf32, #tpu.memory_space<hbm>> -> memref<8192xf32, #tpu.memory_space<hbm>>
      tpu.enqueue_dma source(%dma_start3A_46 : memref<8192xf32, #tpu.memory_space<hbm>>) target(%dma_start3A_45 : memref<8192xf32, #tpu.memory_space<vmem>>) target_semaphore(%run_scoped3A : memref<!tpu.dma_semaphore, #tpu.memory_space<semaphore_mem>>)
      %dma_wait3A = arith.constant 16384 : i32
      %dma_wait3A_47 = tpu.memref_slice %arg6[%dma_wait3A] : memref<40960xf32, #tpu.memory_space<vmem>> -> memref<8192xf32, #tpu.memory_space<vmem>>
      %dma_wait3A_48 = tpu.memref_slice %arg2[%add3A_8] : memref<1310720xf32, #tpu.memory_space<hbm>> -> memref<8192xf32, #tpu.memory_space<hbm>>
      %dma_wait3A_49 = arith.constant 16384 : i32
      %dma_wait3A_50 = tpu.memref_slice %arg6[%dma_wait3A_49] : memref<40960xf32, #tpu.memory_space<vmem>> -> memref<8192xf32, #tpu.memory_space<vmem>>
      %dma_wait3A_51 = tpu.memref_slice %arg2[%add3A_8] : memref<1310720xf32, #tpu.memory_space<hbm>> -> memref<8192xf32, #tpu.memory_space<hbm>>
      tpu.wait_dma2 semaphore(%run_scoped3A : memref<!tpu.dma_semaphore, #tpu.memory_space<semaphore_mem>>) src(%dma_wait3A_51 : memref<8192xf32, #tpu.memory_space<hbm>>) dst(%dma_wait3A_50 : memref<8192xf32, #tpu.memory_space<vmem>>)
      tpu.yield
    }) : () -> ()
    %add3A_9 = arith.constant 786432 : i32
    %add3A_10 = arith.addi %add3A_9, %mul3A_2 : i32
    "tpu.region"() ({
      %run_scoped3A = tpu.sem_alloc : memref<!tpu.dma_semaphore, #tpu.memory_space<semaphore_mem>>
      %dma_start3A = arith.constant 24576 : i32
      %dma_start3A_42 = tpu.memref_slice %arg6[%dma_start3A] : memref<40960xf32, #tpu.memory_space<vmem>> -> memref<8192xf32, #tpu.memory_space<vmem>>
      %dma_start3A_43 = tpu.memref_slice %arg2[%add3A_10] : memref<1310720xf32, #tpu.memory_space<hbm>> -> memref<8192xf32, #tpu.memory_space<hbm>>
      %dma_start3A_44 = arith.constant 24576 : i32
      %dma_start3A_45 = tpu.memref_slice %arg6[%dma_start3A_44] : memref<40960xf32, #tpu.memory_space<vmem>> -> memref<8192xf32, #tpu.memory_space<vmem>>
      %dma_start3A_46 = tpu.memref_slice %arg2[%add3A_10] : memref<1310720xf32, #tpu.memory_space<hbm>> -> memref<8192xf32, #tpu.memory_space<hbm>>
      tpu.enqueue_dma source(%dma_start3A_46 : memref<8192xf32, #tpu.memory_space<hbm>>) target(%dma_start3A_45 : memref<8192xf32, #tpu.memory_space<vmem>>) target_semaphore(%run_scoped3A : memref<!tpu.dma_semaphore, #tpu.memory_space<semaphore_mem>>)
      %dma_wait3A = arith.constant 24576 : i32
      %dma_wait3A_47 = tpu.memref_slice %arg6[%dma_wait3A] : memref<40960xf32, #tpu.memory_space<vmem>> -> memref<8192xf32, #tpu.memory_space<vmem>>
      %dma_wait3A_48 = tpu.memref_slice %arg2[%add3A_10] : memref<1310720xf32, #tpu.memory_space<hbm>> -> memref<8192xf32, #tpu.memory_space<hbm>>
      %dma_wait3A_49 = arith.constant 24576 : i32
      %dma_wait3A_50 = tpu.memref_slice %arg6[%dma_wait3A_49] : memref<40960xf32, #tpu.memory_space<vmem>> -> memref<8192xf32, #tpu.memory_space<vmem>>
      %dma_wait3A_51 = tpu.memref_slice %arg2[%add3A_10] : memref<1310720xf32, #tpu.memory_space<hbm>> -> memref<8192xf32, #tpu.memory_space<hbm>>
      tpu.wait_dma2 semaphore(%run_scoped3A : memref<!tpu.dma_semaphore, #tpu.memory_space<semaphore_mem>>) src(%dma_wait3A_51 : memref<8192xf32, #tpu.memory_space<hbm>>) dst(%dma_wait3A_50 : memref<8192xf32, #tpu.memory_space<vmem>>)
      tpu.yield
    }) : () -> ()
    %add3A_11 = arith.constant 1048576 : i32
    %add3A_12 = arith.addi %add3A_11, %mul3A_2 : i32
    "tpu.region"() ({
      %run_scoped3A = tpu.sem_alloc : memref<!tpu.dma_semaphore, #tpu.memory_space<semaphore_mem>>
      %dma_start3A = arith.constant 32768 : i32
      %dma_start3A_42 = tpu.memref_slice %arg6[%dma_start3A] : memref<40960xf32, #tpu.memory_space<vmem>> -> memref<8192xf32, #tpu.memory_space<vmem>>
      %dma_start3A_43 = tpu.memref_slice %arg2[%add3A_12] : memref<1310720xf32, #tpu.memory_space<hbm>> -> memref<8192xf32, #tpu.memory_space<hbm>>
      %dma_start3A_44 = arith.constant 32768 : i32
      %dma_start3A_45 = tpu.memref_slice %arg6[%dma_start3A_44] : memref<40960xf32, #tpu.memory_space<vmem>> -> memref<8192xf32, #tpu.memory_space<vmem>>
      %dma_start3A_46 = tpu.memref_slice %arg2[%add3A_12] : memref<1310720xf32, #tpu.memory_space<hbm>> -> memref<8192xf32, #tpu.memory_space<hbm>>
      tpu.enqueue_dma source(%dma_start3A_46 : memref<8192xf32, #tpu.memory_space<hbm>>) target(%dma_start3A_45 : memref<8192xf32, #tpu.memory_space<vmem>>) target_semaphore(%run_scoped3A : memref<!tpu.dma_semaphore, #tpu.memory_space<semaphore_mem>>)
      %dma_wait3A = arith.constant 32768 : i32
      %dma_wait3A_47 = tpu.memref_slice %arg6[%dma_wait3A] : memref<40960xf32, #tpu.memory_space<vmem>> -> memref<8192xf32, #tpu.memory_space<vmem>>
      %dma_wait3A_48 = tpu.memref_slice %arg2[%add3A_12] : memref<1310720xf32, #tpu.memory_space<hbm>> -> memref<8192xf32, #tpu.memory_space<hbm>>
      %dma_wait3A_49 = arith.constant 32768 : i32
      %dma_wait3A_50 = tpu.memref_slice %arg6[%dma_wait3A_49] : memref<40960xf32, #tpu.memory_space<vmem>> -> memref<8192xf32, #tpu.memory_space<vmem>>
      %dma_wait3A_51 = tpu.memref_slice %arg2[%add3A_12] : memref<1310720xf32, #tpu.memory_space<hbm>> -> memref<8192xf32, #tpu.memory_space<hbm>>
      tpu.wait_dma2 semaphore(%run_scoped3A : memref<!tpu.dma_semaphore, #tpu.memory_space<semaphore_mem>>) src(%dma_wait3A_51 : memref<8192xf32, #tpu.memory_space<hbm>>) dst(%dma_wait3A_50 : memref<8192xf32, #tpu.memory_space<vmem>>)
      tpu.yield
    }) : () -> ()
    "tpu.region"() ({
      %run_scoped3A = tpu.sem_alloc : memref<!tpu.dma_semaphore, #tpu.memory_space<semaphore_mem>>
      %dma_start3A = tpu.memref_slice %arg3[%mul3A_2] : memref<262144xi32, #tpu.memory_space<hbm>> -> memref<8192xi32, #tpu.memory_space<hbm>>
      %dma_start3A_42 = tpu.memref_slice %arg3[%mul3A_2] : memref<262144xi32, #tpu.memory_space<hbm>> -> memref<8192xi32, #tpu.memory_space<hbm>>
      tpu.enqueue_dma source(%dma_start3A_42 : memref<8192xi32, #tpu.memory_space<hbm>>) target(%arg7 : memref<8192xi32, #tpu.memory_space<vmem>>) target_semaphore(%run_scoped3A : memref<!tpu.dma_semaphore, #tpu.memory_space<semaphore_mem>>)
      %dma_wait3A = tpu.memref_slice %arg3[%mul3A_2] : memref<262144xi32, #tpu.memory_space<hbm>> -> memref<8192xi32, #tpu.memory_space<hbm>>
      %dma_wait3A_43 = tpu.memref_slice %arg3[%mul3A_2] : memref<262144xi32, #tpu.memory_space<hbm>> -> memref<8192xi32, #tpu.memory_space<hbm>>
      tpu.wait_dma2 semaphore(%run_scoped3A : memref<!tpu.dma_semaphore, #tpu.memory_space<semaphore_mem>>) src(%dma_wait3A_43 : memref<8192xi32, #tpu.memory_space<hbm>>) dst(%arg7 : memref<8192xi32, #tpu.memory_space<vmem>>)
      tpu.yield
    }) : () -> ()
    "tpu.region"() ({
      %run_scoped3A = tpu.sem_alloc : memref<!tpu.dma_semaphore, #tpu.memory_space<semaphore_mem>>
      tpu.enqueue_dma source(%arg4 : memref<8xf32, #tpu.memory_space<hbm>>) target(%arg8 : memref<8xf32, #tpu.memory_space<vmem>>) target_semaphore(%run_scoped3A : memref<!tpu.dma_semaphore, #tpu.memory_space<semaphore_mem>>)
      tpu.wait_dma2 semaphore(%run_scoped3A : memref<!tpu.dma_semaphore, #tpu.memory_space<semaphore_mem>>) src(%arg4 : memref<8xf32, #tpu.memory_space<hbm>>) dst(%arg8 : memref<8xf32, #tpu.memory_space<vmem>>)
      tpu.yield
    }) : () -> ()
    %iota3A = tpu.iota {dimensions = array<i32: 0>} : vector<16xi32>
    %broadcast_in_dim3A = arith.constant 0.000000e+00 : f32
    %broadcast_in_dim3A_13 = vector.broadcast %broadcast_in_dim3A : f32 to vector<16xf32>
    %scan3A = arith.constant 0 : i32
    %scan3A_14 = arith.constant 512 : i32
    %scan3A_15 = arith.addi %scan3A, %scan3A_14 : i32
    %scan3A_16 = arith.constant 1 : i32
    %scan3A_17:6 = scf.for %scan3A_42 = %scan3A to %scan3A_15 step %scan3A_16 iter_args(%scan3A_43 = %broadcast_in_dim3A_13, %scan3A_44 = %broadcast_in_dim3A_13, %scan3A_45 = %broadcast_in_dim3A_13, %scan3A_46 = %broadcast_in_dim3A_13, %scan3A_47 = %broadcast_in_dim3A_13, %scan3A_48 = %broadcast_in_dim3A_13) -> (vector<16xf32>, vector<16xf32>, vector<16xf32>, vector<16xf32>, vector<16xf32>, vector<16xf32>)  : i32 {
      %mul3A_49 = arith.constant 16 : i32
      %mul3A_50 = arith.muli %scan3A_42, %mul3A_49 : i32
      %get3A = arith.index_cast %mul3A_50 : i32 to index
      %get3A_51 = tpu.vector_load %arg6[%get3A] {strides = array<i32>} : memref<40960xf32, #tpu.memory_space<vmem>>, vector<16xf32>,
      %add3A_52 = arith.constant 8192 : i32
      %add3A_53 = arith.addi %add3A_52, %mul3A_50 : i32
      %get3A_54 = arith.index_cast %add3A_53 : i32 to index
      %get3A_55 = tpu.vector_load %arg6[%get3A_54] {strides = array<i32>} : memref<40960xf32, #tpu.memory_space<vmem>>, vector<16xf32>,
      %add3A_56 = arith.constant 16384 : i32
      %add3A_57 = arith.addi %add3A_56, %mul3A_50 : i32
      %get3A_58 = arith.index_cast %add3A_57 : i32 to index
      %get3A_59 = tpu.vector_load %arg6[%get3A_58] {strides = array<i32>} : memref<40960xf32, #tpu.memory_space<vmem>>, vector<16xf32>,
      %add3A_60 = arith.constant 24576 : i32
      %add3A_61 = arith.addi %add3A_60, %mul3A_50 : i32
      %get3A_62 = arith.index_cast %add3A_61 : i32 to index
      %get3A_63 = tpu.vector_load %arg6[%get3A_62] {strides = array<i32>} : memref<40960xf32, #tpu.memory_space<vmem>>, vector<16xf32>,
      %add3A_64 = arith.constant 32768 : i32
      %add3A_65 = arith.addi %add3A_64, %mul3A_50 : i32
      %get3A_66 = arith.index_cast %add3A_65 : i32 to index
      %get3A_67 = tpu.vector_load %arg6[%get3A_66] {strides = array<i32>} : memref<40960xf32, #tpu.memory_space<vmem>>, vector<16xf32>,
      %get3A_68 = arith.index_cast %mul3A_50 : i32 to index
      %get3A_69 = tpu.vector_load %arg7[%get3A_68] {strides = array<i32>} : memref<8192xi32, #tpu.memory_space<vmem>>, vector<16xi32>,
      %broadcast_in_dim3A_70 = arith.constant 0 : i32
      %broadcast_in_dim3A_71 = vector.broadcast %broadcast_in_dim3A_70 : i32 to vector<16xi32>
      %gt3A = arith.cmpf ogt, %get3A_55, %get3A_51 : vector<16xf32>
      %jit3A = arith.constant 1 : i32
      %broadcast_in_dim3A_72 = vector.broadcast %jit3A : i32 to vector<16xi32>
      %select_n3A = arith.select %gt3A, %broadcast_in_dim3A_72, %broadcast_in_dim3A_71 : vector<16xi1>, vector<16xi32>
      %select_n3A_73 = arith.select %gt3A, %get3A_55, %get3A_51 : vector<16xi1>, vector<16xf32>
      %gt3A_74 = arith.cmpf ogt, %get3A_59, %select_n3A_73 : vector<16xf32>
      %jit3A_75 = arith.constant 2 : i32
      %broadcast_in_dim3A_76 = vector.broadcast %jit3A_75 : i32 to vector<16xi32>
      %select_n3A_77 = arith.select %gt3A_74, %broadcast_in_dim3A_76, %select_n3A : vector<16xi1>, vector<16xi32>
      %select_n3A_78 = arith.select %gt3A_74, %get3A_59, %select_n3A_73 : vector<16xi1>, vector<16xf32>
      %gt3A_79 = arith.cmpf ogt, %get3A_63, %select_n3A_78 : vector<16xf32>
      %jit3A_80 = arith.constant 3 : i32
      %broadcast_in_dim3A_81 = vector.broadcast %jit3A_80 : i32 to vector<16xi32>
      %select_n3A_82 = arith.select %gt3A_79, %broadcast_in_dim3A_81, %select_n3A_77 : vector<16xi1>, vector<16xi32>
      %select_n3A_83 = arith.select %gt3A_79, %get3A_63, %select_n3A_78 : vector<16xi1>, vector<16xf32>
      %gt3A_84 = arith.cmpf ogt, %get3A_67, %select_n3A_83 : vector<16xf32>
      %jit3A_85 = arith.constant 4 : i32
      %broadcast_in_dim3A_86 = vector.broadcast %jit3A_85 : i32 to vector<16xi32>
      %select_n3A_87 = arith.select %gt3A_84, %broadcast_in_dim3A_86, %select_n3A_82 : vector<16xi1>, vector<16xi32>
      %select_n3A_88 = arith.select %gt3A_84, %get3A_67, %select_n3A_83 : vector<16xi1>, vector<16xf32>
      %sub3A = arith.subf %get3A_51, %select_n3A_88 : vector<16xf32>
      %exp3A = math.exp %sub3A : vector<16xf32>
      %sub3A_89 = arith.subf %get3A_55, %select_n3A_88 : vector<16xf32>
      %exp3A_90 = math.exp %sub3A_89 : vector<16xf32>
      %add3A_91 = arith.addf %exp3A, %exp3A_90 : vector<16xf32>
      %sub3A_92 = arith.subf %get3A_59, %select_n3A_88 : vector<16xf32>
      %exp3A_93 = math.exp %sub3A_92 : vector<16xf32>
      %add3A_94 = arith.addf %add3A_91, %exp3A_93 : vector<16xf32>
      %sub3A_95 = arith.subf %get3A_63, %select_n3A_88 : vector<16xf32>
      %exp3A_96 = math.exp %sub3A_95 : vector<16xf32>
      %add3A_97 = arith.addf %add3A_94, %exp3A_96 : vector<16xf32>
      %sub3A_98 = arith.subf %get3A_67, %select_n3A_88 : vector<16xf32>
      %exp3A_99 = math.exp %sub3A_98 : vector<16xf32>
      %add3A_100 = arith.addf %add3A_97, %exp3A_99 : vector<16xf32>
      %bitcast3A = vector.bitcast %add3A_100 : vector<16xf32> to vector<16xi32>
      %shift_right_arithmetic3A = arith.constant 23 : i32
      %shift_right_arithmetic3A_101 = vector.broadcast %shift_right_arithmetic3A : i32 to vector<16xi32>
      %shift_right_arithmetic3A_102 = arith.shrsi %bitcast3A, %shift_right_arithmetic3A_101 : vector<16xi32>
      %and3A = arith.constant 255 : i32
      %and3A_103 = vector.broadcast %and3A : i32 to vector<16xi32>
      %and3A_104 = arith.andi %shift_right_arithmetic3A_102, %and3A_103 : vector<16xi32>
      %sub3A_105 = arith.constant 127 : i32
      %sub3A_106 = vector.broadcast %sub3A_105 : i32 to vector<16xi32>
      %sub3A_107 = arith.subi %and3A_104, %sub3A_106 : vector<16xi32>
      %convert_element_type3A = arith.sitofp %sub3A_107 : vector<16xi32> to vector<16xf32>
      %and3A_108 = arith.constant 8388607 : i32
      %and3A_109 = vector.broadcast %and3A_108 : i32 to vector<16xi32>
      %and3A_110 = arith.andi %bitcast3A, %and3A_109 : vector<16xi32>
      %or3A = arith.constant 1065353216 : i32
      %or3A_111 = vector.broadcast %or3A : i32 to vector<16xi32>
      %or3A_112 = arith.ori %and3A_110, %or3A_111 : vector<16xi32>
      %bitcast3A_113 = vector.bitcast %or3A_112 : vector<16xi32> to vector<16xf32>
      %sub3A_114 = arith.constant 1.000000e+00 : f32
      %sub3A_115 = vector.broadcast %sub3A_114 : f32 to vector<16xf32>
      %sub3A_116 = arith.subf %bitcast3A_113, %sub3A_115 : vector<16xf32>
      %add3A_117 = arith.constant 1.000000e+00 : f32
      %add3A_118 = vector.broadcast %add3A_117 : f32 to vector<16xf32>
      %add3A_119 = arith.addf %bitcast3A_113, %add3A_118 : vector<16xf32>
      %div3A = arith.divf %sub3A_116, %add3A_119 : vector<16xf32>
      %mul3A_120 = arith.mulf %div3A, %div3A : vector<16xf32>
      %mul3A_121 = arith.constant 0.111111112 : f32
      %mul3A_122 = vector.broadcast %mul3A_121 : f32 to vector<16xf32>
      %mul3A_123 = arith.mulf %mul3A_120, %mul3A_122 : vector<16xf32>
      %add3A_124 = arith.constant 0.142857149 : f32
      %add3A_125 = vector.broadcast %add3A_124 : f32 to vector<16xf32>
      %add3A_126 = arith.addf %add3A_125, %mul3A_123 : vector<16xf32>
      %mul3A_127 = arith.mulf %mul3A_120, %add3A_126 : vector<16xf32>
      %add3A_128 = arith.constant 2.000000e-01 : f32
      %add3A_129 = vector.broadcast %add3A_128 : f32 to vector<16xf32>
      %add3A_130 = arith.addf %add3A_129, %mul3A_127 : vector<16xf32>
      %mul3A_131 = arith.mulf %mul3A_120, %add3A_130 : vector<16xf32>
      %add3A_132 = arith.constant 0.333333343 : f32
      %add3A_133 = vector.broadcast %add3A_132 : f32 to vector<16xf32>
      %add3A_134 = arith.addf %add3A_133, %mul3A_131 : vector<16xf32>
      %mul3A_135 = arith.mulf %mul3A_120, %add3A_134 : vector<16xf32>
      %add3A_136 = arith.constant 1.000000e+00 : f32
      %add3A_137 = vector.broadcast %add3A_136 : f32 to vector<16xf32>
      %add3A_138 = arith.addf %add3A_137, %mul3A_135 : vector<16xf32>
      %mul3A_139 = arith.constant 2.000000e+00 : f32
      %mul3A_140 = vector.broadcast %mul3A_139 : f32 to vector<16xf32>
      %mul3A_141 = arith.mulf %mul3A_140, %div3A : vector<16xf32>
      %mul3A_142 = arith.mulf %mul3A_141, %add3A_138 : vector<16xf32>
      %mul3A_143 = arith.constant 0.693147182 : f32
      %mul3A_144 = vector.broadcast %mul3A_143 : f32 to vector<16xf32>
      %mul3A_145 = arith.mulf %convert_element_type3A, %mul3A_144 : vector<16xf32>
      %add3A_146 = arith.addf %mul3A_142, %mul3A_145 : vector<16xf32>
      %add3A_147 = arith.addf %select_n3A_88, %add3A_146 : vector<16xf32>
      %mul3A_148 = arith.constant 8192 : i32
      %mul3A_149 = vector.broadcast %mul3A_148 : i32 to vector<16xi32>
      %mul3A_150 = arith.muli %get3A_69, %mul3A_149 : vector<16xi32>
      %add3A_151 = vector.broadcast %mul3A_50 : i32 to vector<16xi32>
      %add3A_152 = arith.addi %mul3A_150, %add3A_151 : vector<16xi32>
      %add3A_153 = arith.addi %add3A_152, %iota3A : vector<16xi32>
      %gather3A = tpu.vector_load_idx %arg6[%add3A_153] : memref<40960xf32, #tpu.memory_space<vmem>>[vector<16xi32>], vector<16xf32>,
      %gather3A_154 = tpu.vector_load_idx %arg8[%get3A_69] : memref<8xf32, #tpu.memory_space<vmem>>[vector<16xi32>], vector<16xf32>,
      %sub3A_155 = arith.subf %add3A_147, %gather3A : vector<16xf32>
      %broadcast_in_dim3A_156 = arith.constant 1.000000e+00 : f32
      %broadcast_in_dim3A_157 = vector.broadcast %broadcast_in_dim3A_156 : f32 to vector<16xf32>
      %broadcast_in_dim3A_158 = arith.constant 0.000000e+00 : f32
      %broadcast_in_dim3A_159 = vector.broadcast %broadcast_in_dim3A_158 : f32 to vector<16xf32>
      %ge3A = arith.constant 1 : i32
      %ge3A_160 = vector.broadcast %ge3A : i32 to vector<16xi32>
      %ge3A_161 = arith.cmpi sge, %select_n3A_87, %ge3A_160 : vector<16xi32>
      %select_n3A_162 = arith.select %ge3A_161, %broadcast_in_dim3A_157, %broadcast_in_dim3A_159 : vector<16xi1>, vector<16xf32>
      %ge3A_163 = arith.constant 1 : i32
      %ge3A_164 = vector.broadcast %ge3A_163 : i32 to vector<16xi32>
      %ge3A_165 = arith.cmpi sge, %get3A_69, %ge3A_164 : vector<16xi32>
      %select_n3A_166 = arith.select %ge3A_165, %broadcast_in_dim3A_157, %broadcast_in_dim3A_159 : vector<16xi1>, vector<16xf32>
      %mul3A_167 = arith.mulf %gather3A_154, %sub3A_155 : vector<16xf32>
      %add3A_168 = arith.addf %scan3A_43, %mul3A_167 : vector<16xf32>
      %add3A_169 = arith.addf %scan3A_44, %gather3A_154 : vector<16xf32>
      %eq3A = arith.cmpi eq, %select_n3A_87, %get3A_69 : vector<16xi32>
      %select_n3A_170 = arith.select %eq3A, %broadcast_in_dim3A_157, %broadcast_in_dim3A_159 : vector<16xi1>, vector<16xf32>
      %add3A_171 = arith.addf %scan3A_45, %select_n3A_170 : vector<16xf32>
      %add3A_172 = arith.addf %scan3A_46, %select_n3A_162 : vector<16xf32>
      %add3A_173 = arith.addf %scan3A_47, %select_n3A_166 : vector<16xf32>
      %mul3A_174 = arith.mulf %select_n3A_162, %select_n3A_166 : vector<16xf32>
      %add3A_175 = arith.addf %scan3A_48, %mul3A_174 : vector<16xf32>
      scf.yield %add3A_168, %add3A_169, %add3A_171, %add3A_172, %add3A_173, %add3A_175 : vector<16xf32>, vector<16xf32>, vector<16xf32>, vector<16xf32>, vector<16xf32>, vector<16xf32>
    }
    %scan3A_18 = arith.constant 512 : i32
    %swap3A = arith.constant 0 : i32
    %swap3A_19 = arith.index_cast %swap3A : i32 to index
    %swap3A_20 = arith.constant 0 : index
    %swap3A_21 = tpu.vector_load %arg9[%swap3A_19, %swap3A_20] {strides = array<i32>} : memref<6x16xf32, #tpu.memory_space<vmem>>, vector<16xf32>,
    tpu.vector_store %arg9[%swap3A_19, %swap3A_20], %scan3A_17#0 {strides = array<i32>} : memref<6x16xf32, #tpu.memory_space<vmem>>, vector<16xf32>,
    %swap3A_22 = arith.constant 1 : i32
    %swap3A_23 = arith.index_cast %swap3A_22 : i32 to index
    %swap3A_24 = arith.constant 0 : index
    %swap3A_25 = tpu.vector_load %arg9[%swap3A_23, %swap3A_24] {strides = array<i32>} : memref<6x16xf32, #tpu.memory_space<vmem>>, vector<16xf32>,
    tpu.vector_store %arg9[%swap3A_23, %swap3A_24], %scan3A_17#1 {strides = array<i32>} : memref<6x16xf32, #tpu.memory_space<vmem>>, vector<16xf32>,
    %swap3A_26 = arith.constant 2 : i32
    %swap3A_27 = arith.index_cast %swap3A_26 : i32 to index
    %swap3A_28 = arith.constant 0 : index
    %swap3A_29 = tpu.vector_load %arg9[%swap3A_27, %swap3A_28] {strides = array<i32>} : memref<6x16xf32, #tpu.memory_space<vmem>>, vector<16xf32>,
    tpu.vector_store %arg9[%swap3A_27, %swap3A_28], %scan3A_17#2 {strides = array<i32>} : memref<6x16xf32, #tpu.memory_space<vmem>>, vector<16xf32>,
    %swap3A_30 = arith.constant 3 : i32
    %swap3A_31 = arith.index_cast %swap3A_30 : i32 to index
    %swap3A_32 = arith.constant 0 : index
    %swap3A_33 = tpu.vector_load %arg9[%swap3A_31, %swap3A_32] {strides = array<i32>} : memref<6x16xf32, #tpu.memory_space<vmem>>, vector<16xf32>,
    tpu.vector_store %arg9[%swap3A_31, %swap3A_32], %scan3A_17#3 {strides = array<i32>} : memref<6x16xf32, #tpu.memory_space<vmem>>, vector<16xf32>,
    %swap3A_34 = arith.constant 4 : i32
    %swap3A_35 = arith.index_cast %swap3A_34 : i32 to index
    %swap3A_36 = arith.constant 0 : index
    %swap3A_37 = tpu.vector_load %arg9[%swap3A_35, %swap3A_36] {strides = array<i32>} : memref<6x16xf32, #tpu.memory_space<vmem>>, vector<16xf32>,
    tpu.vector_store %arg9[%swap3A_35, %swap3A_36], %scan3A_17#4 {strides = array<i32>} : memref<6x16xf32, #tpu.memory_space<vmem>>, vector<16xf32>,
    %swap3A_38 = arith.constant 5 : i32
    %swap3A_39 = arith.index_cast %swap3A_38 : i32 to index
    %swap3A_40 = arith.constant 0 : index
    %swap3A_41 = tpu.vector_load %arg9[%swap3A_39, %swap3A_40] {strides = array<i32>} : memref<6x16xf32, #tpu.memory_space<vmem>>, vector<16xf32>,
    tpu.vector_store %arg9[%swap3A_39, %swap3A_40], %scan3A_17#5 {strides = array<i32>} : memref<6x16xf32, #tpu.memory_space<vmem>>, vector<16xf32>,
    "tpu.region"() ({
      %run_scoped3A = tpu.sem_alloc : memref<!tpu.dma_semaphore, #tpu.memory_space<semaphore_mem>>
      %dma_start3A = arith.constant 0 : i32
      %dma_start3A_42 = arith.constant 0 : i32
      %dma_start3A_43 = tpu.memref_slice %arg5[%add3A, %dma_start3A, %dma_start3A_42] : memref<32x6x16xf32, #tpu.memory_space<hbm>> -> memref<1x6x16xf32, #tpu.memory_space<hbm>>
      %dma_start3A_44 = tpu.memref_squeeze %dma_start3A_43 : memref<1x6x16xf32, #tpu.memory_space<hbm>> -> memref<6x16xf32, #tpu.memory_space<hbm>>
      %dma_start3A_45 = arith.constant 0 : i32
      %dma_start3A_46 = arith.constant 0 : i32
      %dma_start3A_47 = tpu.memref_slice %arg5[%add3A, %dma_start3A_45, %dma_start3A_46] : memref<32x6x16xf32, #tpu.memory_space<hbm>> -> memref<1x6x16xf32, #tpu.memory_space<hbm>>
      %dma_start3A_48 = tpu.memref_squeeze %dma_start3A_47 : memref<1x6x16xf32, #tpu.memory_space<hbm>> -> memref<6x16xf32, #tpu.memory_space<hbm>>
      tpu.enqueue_dma source(%arg9 : memref<6x16xf32, #tpu.memory_space<vmem>>) target(%dma_start3A_48 : memref<6x16xf32, #tpu.memory_space<hbm>>) target_semaphore(%run_scoped3A : memref<!tpu.dma_semaphore, #tpu.memory_space<semaphore_mem>>)
      %dma_wait3A = arith.constant 0 : i32
      %dma_wait3A_49 = arith.constant 0 : i32
      %dma_wait3A_50 = tpu.memref_slice %arg5[%add3A, %dma_wait3A, %dma_wait3A_49] : memref<32x6x16xf32, #tpu.memory_space<hbm>> -> memref<1x6x16xf32, #tpu.memory_space<hbm>>
      %dma_wait3A_51 = tpu.memref_squeeze %dma_wait3A_50 : memref<1x6x16xf32, #tpu.memory_space<hbm>> -> memref<6x16xf32, #tpu.memory_space<hbm>>
      %dma_wait3A_52 = arith.constant 0 : i32
      %dma_wait3A_53 = arith.constant 0 : i32
      %dma_wait3A_54 = tpu.memref_slice %arg5[%add3A, %dma_wait3A_52, %dma_wait3A_53] : memref<32x6x16xf32, #tpu.memory_space<hbm>> -> memref<1x6x16xf32, #tpu.memory_space<hbm>>
      %dma_wait3A_55 = tpu.memref_squeeze %dma_wait3A_54 : memref<1x6x16xf32, #tpu.memory_space<hbm>> -> memref<6x16xf32, #tpu.memory_space<hbm>>
      tpu.wait_dma2 semaphore(%run_scoped3A : memref<!tpu.dma_semaphore, #tpu.memory_space<semaphore_mem>>) src(%arg9 : memref<6x16xf32, #tpu.memory_space<vmem>>) dst(%dma_wait3A_55 : memref<6x16xf32, #tpu.memory_space<hbm>>)
      tpu.yield
    }) : () -> ()
    return
  }
}

</mosaic_0001>

<sc_bundles>
// kernel: kernel.3.cloned.1.call-start
scs
__scs_entry_jumppad:
0x0: {  	(pc) =	sbr.rel $0x88, $3  }
0x1: {  	(tag) =	ssettag $0x0;
	lr =	simm.s32 $0x1  }
0x2: {  	[smem:$0x3F9F] =	sst lr;
	_ =	strace $0xD0000000  }
0x3: {  	_ = 	snop  }
0x4: {  	_ = 	snop  }
0x5: {  	_ = 	snop  }
0x6: {  	_ = 	snop  }
0x7: {  	_ = 	snop  }
__scs_overlays_trampoline_lowered:
0x8: {  	[smem:$0x3FAE] =	sst s0  }
0x9: {  	[smem:$0x3FAF] =	sst s1  }
0xa: {  	[smem:$0x3FB0] =	sst s2  }
0xb: {  	[smem:$0x3FB1] =	sst s3  }
0xc: {  	[smem:$0x3FB2] =	sst s4  }
0xd: {  	[smem:$0x3FB3] =	sst s5  }
0xe: {  	[smem:$0x3FB4] =	sst s6  }
0xf: {  	[smem:$0x3FB5] =	sst s7  }
0x10: {  	[smem:$0x3FB6] =	sst s8  }
0x11: {  	[smem:$0x3FB7] =	sst s9;
	s0 =	simm.s32 @!p0 $0x0  }
0x12: {  	s1 =	sld [smem:$0x3F9D];
	s0 =	simm.s32 @p0 $0x1  }
0x13: {  	[smem:$0x3FB8] =	sst s0;
	s0 =	simm.s32 @!p1 $0x0  }
0x14: {  	s2 =	sld [smem:$0x3F9C];
	s0 =	simm.s32 @p1 $0x1  }
0x15: {  	[smem:$0x3FB9] =	sst s0;
	s0 =	simm.s32 @!p2 $0x0  }
0x16: {  	s3 =	sld [smem:$0x3FDB];
	s0 =	simm.s32 @p2 $0x1  }
0x17: {  	s4 =	simm.s32 $0x1BF5;
	[smem:$0x3FBB] =	sst s0  }
0x18: {  	s0 =	sld [smem:$0x3F9E];
	_ =	swait.ge [sflag:s4], $0x0  }
0x19: {  	s7 =	sld [smem:$0x3F9F]  }
0x1a: {  	s8 =	sadd.s32 $0xFFFFE003, lr  }
0x1b: {  	s9 =	sadd.s32 $0xFFFFFEF7, lr;
	s5 =	simm.s32 $0xFFFFFFFF;
	p2 =	slt.u32 s8, $0xFFFFF086  }
0x1c: {  	p1 =	slt.u32 s9, $0xF7A;
	s5 =	simm.s32 @!p2 $0x0  }
0x1d: {  	s5 =	simm.s32 @p1 $0x1;
	p0 =	seq.s32 s7, s2  }
0x1e: {  	s7 =	smul.u32 @!p0 $0xF7A, s2;
	p2 =	seq.s32 @!p0 s5, $0x0  }
0x1f: {  	s9 =	smul.u32 $0xF7A, s1;
	s8 =	simm.s32 @!p0 $0x1BF5;
	p2 =	por !p2, p0  }
0x20: {  	[sflag:s8] =	ssyncset.s32 @!p0 $0xFFFFF086;
	s6 =	sadd.s32 @!p0 s3, s7;
	s7 =	simm.s32 @!p0 $0x108  }
0x21: {  	s3 =	sadd.s32 s3, s9;
	s6 =	sadd.s32 @!p0 $0x88, s6;
	s7 =	simm.s32 @p2 $0x1082  }
0x22: {  	[simem:s7], [sflag:s8] =	dma.local @!p0 [hbm:s6], $0xF7A  }
0x23: {  	s9 =	sor.u32 $0xD0000000, s2;
	s6 =	simm.s32 $0x108;
	_ =	swait.ge @!p0 [sflag:s8], $0x0  }
0x24: {  	s3 =	sadd.s32 $0x88, s3;
	s6 =	simm.s32 @!p1 $0x1082;
	[sflag:s4] =	ssyncset.s32 $0xFFFFF086  }
0x25: {  	[simem:s6], [sflag:s4] =	dma.local [hbm:s3], $0xF7A  }
0x26: {  	[smem:$0x3F9F] =	sst s1;
	(tag) =	ssettag s2;
	_ =	strace s9  }
0x27: {  	s1 =	sld [smem:$0x3FAF]  }
0x28: {  	s2 =	sld [smem:$0x3FB0]  }
0x29: {  	s4 =	sld [smem:$0x3FB2]  }
0x2a: {  	p0 =	seq.s32 s5, $0x0;
	s5 =	sld [smem:$0x3FB3]  }
0x2b: {  	s6 =	sld [smem:$0x3FB4]  }
0x2c: {  	s7 =	sld [smem:$0x3FB5]  }
0x2d: {  	s3 =	simm.s32 $0x108;
	s8 =	sld [smem:$0x3FB6]  }
0x2e: {  	s3 =	simm.s32 @!p0 $0x1082;
	s9 =	sld [smem:$0x3FB7]  }
0x2f: {  	lr =	sadd.s32 s0, s3;
	s0 =	sld [smem:$0x3FAE]  }
0x30: {  	s3 =	sld [smem:$0x3FB1]  }
0x31: {  	[smem:$0x3FBA] =	sst s10  }
0x32: {  	s10 =	sld [smem:$0x3FB8];
	_ =	sdelay $0x3  }
0x33: {  	p0 =	seq.s32 s10, $0x1;
	s10 =	sld [smem:$0x3FBA];
	_ =	sdelay $0x3  }
0x34: {  	[smem:$0x3FBA] =	sst s10  }
0x35: {  	s10 =	sld [smem:$0x3FB9];
	_ =	sdelay $0x3  }
0x36: {  	p1 =	seq.s32 s10, $0x1;
	s10 =	sld [smem:$0x3FBA];
	_ =	sdelay $0x3  }
0x37: {  	[smem:$0x3FBA] =	sst s10  }
0x38: {  	s10 =	sld [smem:$0x3FBB]  }
0x39: {  	_ = 	snop;
	(pc) =	sbr.ind lr, $3  }
0x3a: {  	_ = 	snop  }
0x3b: {  	_ = 	snop  }
0x3c: {  	p2 =	seq.s32 s10, $0x1;
	s10 =	sld [smem:$0x3FBA]  }
0x3d: {  	_ =	shalt  }
0x3e: {  	_ =	shalt  }
0x3f: {  	_ =	shalt  }
0x40: {  	_ =	shalt  }
0x41: {  	_ =	shalt  }
0x42: {  	_ =	shalt  }
0x43: {  	_ =	shalt  }
0x44: {  	_ =	shalt  }
0x45: {  	_ =	shalt  }
0x46: {  	_ =	shalt  }
0x47: {  	_ =	shalt  }
0x48: {  	_ =	shalt  }
0x49: {  	_ =	shalt  }
0x4a: {  	_ =	shalt  }
0x4b: {  	_ =	shalt  }
0x4c: {  	_ =	shalt  }
0x4d: {  	_ =	shalt  }
0x4e: {  	_ =	shalt  }
0x4f: {  	_ =	shalt  }
0x50: {  	_ =	shalt  }
0x51: {  	_ =	shalt  }
0x52: {  	_ =	shalt  }
0x53: {  	_ =	shalt  }
0x54: {  	_ =	shalt  }
0x55: {  	_ =	shalt  }
0x56: {  	_ =	shalt  }
0x57: {  	_ =	shalt  }
0x58: {  	_ =	shalt  }
0x59: {  	_ =	shalt  }
0x5a: {  	_ =	shalt  }
0x5b: {  	_ =	shalt  }
0x5c: {  	_ =	shalt  }
0x5d: {  	_ =	shalt  }
0x5e: {  	_ =	shalt  }
0x5f: {  	_ =	shalt  }
0x60: {  	_ =	shalt  }
0x61: {  	_ =	shalt  }
0x62: {  	_ =	shalt  }
0x63: {  	_ =	shalt  }
0x64: {  	_ =	shalt  }
0x65: {  	_ =	shalt  }
0x66: {  	_ =	shalt  }
0x67: {  	_ =	shalt  }
0x68: {  	_ =	shalt  }
0x69: {  	_ =	shalt  }
0x6a: {  	_ =	shalt  }
0x6b: {  	_ =	shalt  }
0x6c: {  	_ =	shalt  }
0x6d: {  	_ =	shalt  }
0x6e: {  	_ =	shalt  }
0x6f: {  	_ =	shalt  }
0x70: {  	_ =	shalt  }
0x71: {  	_ =	shalt  }
0x72: {  	_ =	shalt  }
0x73: {  	_ =	shalt  }
0x74: {  	_ =	shalt  }
0x75: {  	_ =	shalt  }
0x76: {  	_ =	shalt  }
0x77: {  	_ =	shalt  }
0x78: {  	_ =	shalt  }
0x79: {  	_ =	shalt  }
0x7a: {  	_ =	shalt  }
0x7b: {  	_ =	shalt  }
0x7c: {  	_ =	shalt  }
0x7d: {  	_ =	shalt  }
0x7e: {  	_ =	shalt  }
0x7f: {  	_ =	shalt  }
0x80: {  	_ =	shalt  }
0x81: {  	_ =	shalt  }
0x82: {  	_ =	shalt  }
0x83: {  	_ =	shalt  }
0x84: {  	_ =	shalt  }
0x85: {  	_ =	shalt  }
0x86: {  	_ =	shalt  }
0x87: {  	_ =	shalt  }
.Lfunc_end0:
.L_simem_size_0:
called_computation_lowered:
.L_overlay_start_0:
0x88: {  	s2 =	sld [smem:$0x3FD9]  }
0x89: {  	s3 =	sld [smem:$0x3FFE];
	_ =	sdelay $0x1  }
0x8a: {  	s1 =	srdreg.scid  }
0x8b: {  	s0 =	sand.u32 $0x1, s1  }
0x8c: {  	s14 =	sshll.u32 s0, $0xA;
	s2 =	sadd.s32 s3, s2  }
0x8d: {  	s2 =	sadd.s32 s2, s14  }
0x8e: {  	[smem:$0x3FC6] =	sst s2  }
0x8f: {  	_ = 	snop  }
0x90: {  	s2 =	sld [smem:$0x3FD0];
	_ =	sdelay $0x1  }
0x91: {  	s15 =	sld [smem:$0x3FC9]  }
0x92: {  	s5 =	simm.s32 $0xA;
	s6 =	simm.s32 $0x10;
	s4 =	sld [smem:$0x3FC8]  }
0x93: {  	[smem:s6], [sflag:s5] =	dma.local [hbm:s2], $0x1  }
0x94: {  	_ =	swait.eq [sflag:s5], $0x1  }
0x95: {  	[sflag:s5] =	ssyncset.done $0x0  }
0x96: {  	[sflag:s5] =	ssyncadd.s32 $0xFFFFFFFF  }
0x97: {  	s16 =	sld [smem:$0x12];
	(tm) =	ssettm $0x1  }
0x98: {  	s17 =	sld [smem:$0x3FFB];
	_ =	sdelay $0x3  }
0x99: {  	_ =	strace s17  }
0x9a: {  	s5 =	sld [smem:$0x3FFC];
	_ =	sdelay $0x3  }
0x9b: {  	_ =	strace s5  }
0x9c: {  	s5 =	sld [smem:$0x3FFD];
	_ =	sdelay $0x3  }
0x9d: {  	_ =	strace s5  }
0x9e: {  	_ =	strace $0x8FFFFFFF  }
0x9f: {  	s18 =	sld [smem:$0x3FDB];
	_ =	sdelay $0x1  }
0xa0: {  	s19 =	simm.s32 $_scs_section_size  }
0xa1: {  	s7 =	simm.s32 $_size__tile_overlayer_lowered;
	s8 =	simm.s32 $_tile_overlayer_lowered  }
0xa2: {  	s22 =	simm.s32 $0x1BFF;
	s21 =	sshll.u32 s8, $0x1;
	s5 =	sadd.s32 s19, s18  }
0xa3: {  	s9 =	simm.s32 $0x0;
	s20 =	sshll.u32 s7, $0x1;
	s7 =	sadd.s32 s21, s5  }
0xa4: {  	[timem:s9], [sflag:s22] =	dma.local [hbm:s7], s20  }
0xa5: {  	_ =	swait.ge [sflag:s22], s20  }
0xa6: {  	s6 =	ssub.s32 $0x0, s20;
	[sflag:s22] =	ssyncset.done $0x0  }
0xa7: {  	[sflag:s22] =	ssyncadd.s32 s6;
	_ =	sdelay $0x1  }
0xa8: {  	s23 =	simm.s32 $0x1B8B  }
0xa9: {  	_ =	swait.ge [sflag:s23], $0x1  }
0xaa: {  	[sflag:s23] =	ssyncset.done $0x0  }
0xab: {  	s25 =	simm.s32 $0x1B8E;
	s24 =	sld [smem:$0x3FFE];
	[sflag:s23] =	ssyncadd.s32 $0xFFFFFFFF  }
0xac: {  	s26 =	simm.s32 $execute0_lowered;
	[smem:$0x3FD2] =	sst s25  }
0xad: {  	s7 =	sshll.u32 s26, $0x1;
	_ =	strace $0x80000046;
	[dreg:$0x1] =	wrdreg $0xFFFFFFFF  }
0xae: {  	s28 =	simm.s32 $_size_execute0_lowered;
	s5 =	sadd.s32 s5, s7;
	[dreg:$0x0] =	wrdreg $0x0  }
0xaf: {  	s7 =	sshll.u32 s28, $0x1;
	[dreg:$0x2] =	wrdreg s5  }
0xb0: {  	[dreg:$0x3] =	wrdreg s7  }
0xb1: {  	[dreg:$0x4] =	wrdreg $0xC0  }
0xb2: {  	_ =	task [dreg:s9], $0x5FFFF  }
0xb3: {  	[dreg:$0x1] =	wrdreg $0xFFFFFFFF  }
0xb4: {  	[dreg:$0x0] =	wrdreg $0x60  }
0xb5: {  	[dreg:$0x2] =	wrdreg s15  }
0xb6: {  	[dreg:$0x3] =	wrdreg s4  }
0xb7: {  	[dreg:$0x4] =	wrdreg s16  }
0xb8: {  	[dreg:$0x5] =	wrdreg s24  }
0xb9: {  	[dreg:$0x6] =	wrdreg $0x9  }
0xba: {  	_ =	task.clear_ibuf [dreg:s9], $0x7FFFF;
	_ =	strace $0x90000046  }
0xbb: {  	s29 =	simm.s32 $0x9;
	_ =	strace $0x80000048  }
0xbc: {  	_ =	swait.ge [sflag:s29], $0x1  }
0xbd: {  	[sflag:s29] =	ssyncadd.s32 $0xFFFFFFFF  }
0xbe: {  	_ =	strace $0x90000048  }
0xbf: {  	_ =	sfence  }
0xc0: {  	s30 =	sld [smem:$0x0];
	_ =	sdelay $0x2  }
0xc1: {  	s31 =	sshll.u32 s1, $0xD;
	s1 =	sshrl.u32 s1, $0x2  }
0xc2: {  	s3 =	sand.u32 $0x4000, s31;
	s1 =	sadd.s32 s1, s30  }
0xc3: {  	s0 =	sor.u32 s3, s0;
	s1 =	sshll.u32 s1, $0x11  }
0xc4: {  	s0 =	sor.u32 s1, s0  }
0xc5: {  	s0 =	sadd.s32 $0x8F2B, s0  }
0xc6: {  	[sflag:s0] =	ssyncadd.remote.s32 $0x1  }
0xc7: {  	_ =	sfence.sel $0xFFFF  }
0xc8: {  	[dreg:$0x0] =	wrdreg $0xFFFFFFFF;
	(pc) =	sbr.abs _section_cstart, $3  }
0xc9: {  	[dreg:$0x1] =	wrdreg $0xFFFFFFFF  }
0xca: {  	_ =	task.clear_ibuf [dreg:s9], $0x2FFFF;
	_ =	strace $0x9FFFFFFF  }
0xcb: {  	(tm) =	ssettm $0x7FFFFFFF  }
tec
execute0_lowered:
.L_overlay_start_1:
0x0: {  	(tag) =	ssettag $0x1  }
0x1: {  	s4 =	rddreg [dreg:$0x0]  }
0x2: {  	s9 =	rddreg [dreg:$0x1]  }
0x3: {  	s1 =	rddreg [dreg:$0x2]  }
0x4: {  	s5 =	rddreg [dreg:$0x3]  }
0x5: {  	s0 =	rddreg [dreg:$0x4]  }
0x6: {  	s3 =	simm.s32 $0x0;
	s6 =	srdreg.scid;
	s2 =	stileid.u32  }
0x7: {  	s14 =	simm.s32 $0x4000;
	s15 =	simm.s32 $0x6000;
	s16 =	simm.s32 $0x8000  }
0x8: {  	s17 =	simm.s32 $0xC000;
	s18 =	simm.s32 $0xC080;
	s19 =	simm.s32 $0x0  }
0x9: {  	[smem:$0x7FF] =	sst s3;
	s6 =	sand.u32 $0x1, s6;
	s7 =	sshll.u32 s2, $0x1  }
0xa: {  	_ =	strace $0x80000047;
	s7 =	sor.u32 s6, s7;
	s6 =	ssub.s32 $0x2, s6  }
0xb: {  	s8 =	sshll.u32 s7, $0x7;
	s10 =	sshrl.u32 s6, $0x1;
	s11 =	sshll.u32 s7, $0xA  }
0xc: {  	s12 =	sadd.s32 s8, s5;
	s13 =	ssub.s32 s6, s10;
	s4 =	sadd.s32 s4, s11  }
0xd: {  	s9 =	sadd.s32 s9, s11;
	s5 =	sadd.s32 $0x8000, s4;
	s6 =	sadd.s32 $0x10000, s4  }
0xe: {  	v0 =	vimm.s32 $0x0;
	s7 =	sadd.s32 $0x18000, s4;
	s8 =	sadd.s32 $0x20000, s4;
	s10 =	sadd.s32 $0x200, s12  }
0xf: {  	v1 =	vimm.f32 $1.000000000e+00;
	v2 =	vlaneseq.u32;
	v3 =	vimm.f32 $0.0e+00;
	s11 =	smax.u32 s13, $0x1;
	s12 =	simm.s32 $0x1;
	s13 =	simm.s32 $0x2000  }
.LBB2_1:
0x10: {  	[tilespmem:s3], [sflag:$0x1] =	stream.linear.gather [hbm4b:s4+s3], $0x2000, $0x38;
	[tilespmem:$0xC480] =	vst v63  }
0x11: {  	_ =	swait.ge [sflag:s12], $0x2000  }
0x12: {  	[sflag:s12] =	ssyncset.done $0x0  }
0x13: {  	[sflag:s12] =	ssyncadd.s32 $0xFFFFE000  }
0x14: {  	[tilespmem:s13], [sflag:$0x1] =	stream.linear.gather [hbm4b:s5+s3], $0x2000, $0x38;
	[tilespmem:$0xC480] =	vst v63  }
0x15: {  	_ =	swait.ge [sflag:s12], $0x2000  }
0x16: {  	[sflag:s12] =	ssyncset.done $0x0  }
0x17: {  	[sflag:s12] =	ssyncadd.s32 $0xFFFFE000  }
0x18: {  	[tilespmem:s14], [sflag:$0x1] =	stream.linear.gather [hbm4b:s6+s3], $0x2000, $0x38;
	[tilespmem:$0xC480] =	vst v63  }
0x19: {  	_ =	swait.ge [sflag:s12], $0x2000  }
0x1a: {  	[sflag:s12] =	ssyncset.done $0x0  }
0x1b: {  	[sflag:s12] =	ssyncadd.s32 $0xFFFFE000  }
0x1c: {  	[tilespmem:s15], [sflag:$0x1] =	stream.linear.gather [hbm4b:s7+s3], $0x2000, $0x38;
	[tilespmem:$0xC480] =	vst v63  }
0x1d: {  	_ =	swait.ge [sflag:s12], $0x2000  }
0x1e: {  	[sflag:s12] =	ssyncset.done $0x0  }
0x1f: {  	[sflag:s12] =	ssyncadd.s32 $0xFFFFE000  }
0x20: {  	[tilespmem:s16], [sflag:$0x1] =	stream.linear.gather [hbm4b:s8+s3], $0x2000, $0x38;
	[tilespmem:$0xC480] =	vst v63  }
0x21: {  	_ =	swait.ge [sflag:s12], $0x2000  }
0x22: {  	[sflag:s12] =	ssyncset.done $0x0  }
0x23: {  	s22 =	simm.s32 $0xA000;
	[sflag:s12] =	ssyncadd.s32 $0xFFFFE000  }
0x24: {  	[tilespmem:s22], [sflag:$0x1] =	stream.linear.gather [hbm4b:s9+s3], $0x2000, $0x38;
	[tilespmem:$0xC480] =	vst v63  }
0x25: {  	_ =	swait.ge [sflag:s12], $0x2000  }
0x26: {  	[sflag:s12] =	ssyncset.done $0x0  }
0x27: {  	[sflag:s12] =	ssyncadd.s32 $0xFFFFE000  }
0x28: {  	[tilespmem:s17], [sflag:$0x1] =	stream.linear.gather [hbm4b:s1+s3], $0x80, $0x38;
	[tilespmem:$0xC480] =	vst v63  }
0x29: {  	_ =	swait.ge [sflag:s12], $0x80  }
0x2a: {  	[sflag:s12] =	ssyncset.done $0x0  }
0x2b: {  	[sflag:s12] =	ssyncadd.s32 $0xFFFFFF80  }
0x2c: {  	s20 =	sand.u32 $0x1FF0, s3;
	v4 =	vld [tilespmem:s3+$0x0]  }
0x2d: {  	v5 =	vld [tilespmem:s20+$0x2000];
	_ =	sdelay $0x1  }
0x2e: {  	v6 =	vld [tilespmem:s20+$0x4000];
	_ =	sdelay $0x1  }
0x2f: {  	v7 =	vld [tilespmem:s20+$0x6000]  }
0x30: {  	vm3 =	vgt.f32 v5, v4  }
0x31: {  	v9 =	vld [tilespmem:s20+$0x8000];
	v8 =	vsel vm3, v5, v4  }
0x32: {  	vm2 =	vgt.f32 v6, v8  }
0x33: {  	v8 =	vsel vm2, v6, v8  }
0x34: {  	vm1 =	vgt.f32 v7, v8  }
0x35: {  	v8 =	vsel vm1, v7, v8  }
0x36: {  	vm0 =	vgt.f32 v9, v8  }
0x37: {  	v8 =	vsel vm0, v9, v8  }
0x38: {  	v4 =	vsub.f32 v4, v8  }
0x39: {  	v5 =	vsub.f32 v5, v8  }
0x3a: {  	v4 =	vmul.f32 $1.442695020e+00, v4  }
0x3b: {  	v6 =	vsub.f32 v6, v8;
	v5 =	vmul.f32 $1.442695020e+00, v5  }
0x3c: {  	(erf) = vpow2.f32 v4  }
0x3d: {  	v4 =	vmul.f32 $1.442695020e+00, v6;
	(erf) = vpow2.f32 v5;
	v5 =	vsub.f32 v7, v8;
	_ =	sdelay $0x1  }
0x3e: {  	v6 =	vsub.f32 v9, v8;
	(erf) = vpow2.f32 v4;
	v5 =	vmul.f32 $1.442695020e+00, v5;
	_ =	sdelay $0x1  }
0x3f: {  	v4 =	vmul.f32 $1.442695020e+00, v6;
	(erf) = vpow2.f32 v5  }
0x40: {  	s20 =	simm.s32 $0x10  }
0x41: {  	s21 =	sand.u32 $0x1FF0, s20;
	(erf) = vpow2.f32 v4  }
0x42: {  	v6 =	vld [tilespmem:s21+$0x2000]  }
0x43: {  	v5 =	vld [tilespmem:s20+$0x0];
	v4 =	vpop (erf)  }
0x44: {  	v7 =	vpop (erf)  }
0x45: {  	v9 =	vld [tilespmem:s21+$0x4000];
	v4 =	vadd.f32 v7, v4  }
0x46: {  	v7 =	vpop (erf)  }
0x47: {  	v10 =	vld [tilespmem:s21+$0x6000];
	v4 =	vadd.f32 v4, v7  }
0x48: {  	vm4 =	vgt.f32 v6, v5;
	v7 =	vpop (erf)  }
0x49: {  	v11 =	vld [tilespmem:s21+$0x8000];
	v12 =	vsel vm4, v6, v5;
	v4 =	vadd.f32 v4, v7  }
0x4a: {  	vm5 =	vgt.f32 v9, v12;
	v7 =	vpop (erf)  }
0x4b: {  	v12 =	vsel vm5, v9, v12;
	v13 =	vadd.f32 v4, v7  }
0x4c: {  	vm7 =	vgt.f32 v10, v12  }
0x4d: {  	v4 =	vsel vm7, v10, v12;
	v7 =	vand.u32 $0x7FFFFF, v13  }
0x4e: {  	vm6 =	vgt.f32 v11, v4;
	v7 =	vor.u32 $0x3F800000, v7  }
0x4f: {  	v4 =	vsel vm6, v11, v4;
	v12 =	vadd.f32 $1.000000000e+00, v7  }
0x50: {  	v5 =	vsub.f32 v5, v4  }
0x51: {  	v6 =	vsub.f32 v6, v4;
	(erf) = vrcp.f32 v12  }
0x52: {  	v5 =	vmul.f32 $1.442695020e+00, v5  }
0x53: {  	v9 =	vsub.f32 v9, v4;
	v6 =	vmul.f32 $1.442695020e+00, v6  }
0x54: {  	(erf) = vpow2.f32 v5  }
0x55: {  	v5 =	vmul.f32 $1.442695020e+00, v9;
	(erf) = vpow2.f32 v6;
	v6 =	vsub.f32 v10, v4  }
0x56: {  	v10 =	vsub.f32 v11, v4  }
0x57: {  	s21 =	simm.s32 $0x20;
	v9 =	vsel vm3, $0x1, v0;
	(erf) = vpow2.f32 v5;
	v6 =	vmul.f32 $1.442695020e+00, v6  }
0x58: {  	s23 =	sand.u32 $0x1FF0, s21;
	v11 =	vsel vm4, $0x1, v0;
	v5 =	vsel vm2, $0x2, v9;
	v9 =	vmul.f32 $1.442695020e+00, v10  }
0x59: {  	v12 =	vld [tilespmem:s23+$0x2000];
	v5 =	vsel vm1, $0x3, v5;
	(erf) = vpow2.f32 v6;
	v6 =	vadd.f32 $-1.000000000e+00, v7  }
0x5a: {  	v10 =	vld [tilespmem:s21+$0x0];
	v15 =	vsel vm0, $0x4, v5;
	v5 =	vsel vm5, $0x2, v11;
	v7 =	vpop (erf)  }
0x5b: {  	v21 =	vld [tilespmem:s22+$0x0];
	v5 =	vsel vm7, $0x3, v5;
	(erf) = vpow2.f32 v9;
	v14 =	vmul.f32 v7, v6  }
0x5c: {  	v24 =	vmov s3;
	v25 =	vor.u32 s3, v2;
	vm0 =	veq.s32 v15, $0x0  }
0x5d: {  	v24 =	vand.u32 $0x1F80, v24;
	v16 =	vld [tilespmem:s23+$0x4000];
	v19 =	vsel vm0, $0x0, v1;
	v7 =	vpop (erf);
	v17 =	vmul.f32 v14, v14  }
0x5e: {  	v25 =	vand.u32 $0x7F, v25;
	v11 =	vadd.f32 v19, v3;
	v6 =	vsel vm6, $0x4, v5;
	v5 =	vpop (erf)  }
0x5f: {  	v18 =	vld [tilespmem:s23+$0x6000];
	vm9 =	vgt.f32 v12, v10;
	v7 =	vadd.f32 v5, v7;
	v9 =	vmul.f32 $1.111111120e-01, v17  }
0x60: {  	v26 =	vshll.u32 v21, $0xD;
	v23 =	vsel vm9, v12, v10;
	vm8 =	veq.s32 v6, $0x0;
	v20 =	vpop (erf)  }
0x61: {  	v22 =	vld [tilespmem:s23+$0x8000];
	v5 =	vsel vm8, $0x0, v1;
	v7 =	vadd.f32 v7, v20;
	v20 =	vadd.f32 $1.428571490e-01, v9  }
0x62: {  	vm13 =	vgt.s32 v21, $0x0;
	vm10 =	vgt.f32 v16, v23;
	v9 =	vadd.f32 v5, v11;
	v11 =	vpop (erf)  }
0x63: {  	v23 =	vsel vm10, v16, v23;
	v7 =	vadd.f32 v7, v11;
	v20 =	vmul.f32 v20, v17  }
0x64: {  	v24 =	vor.u32 v24, v26;
	v13 =	vshrl.u32 v13, $0x17;
	vm11 =	vgt.f32 v18, v23;
	v11 =	vpop (erf)  }
0x65: {  	v23 =	vsel vm11, v18, v23;
	v11 =	vadd.f32 v7, v11;
	v20 =	vadd.f32 $2.000000030e-01, v20  }
0x66: {  	v24 =	vor.u32 v25, v24;
	v13 =	vand.u32 $0xFF, v13;
	vm12 =	vgt.f32 v22, v23  }
0x67: {  	v7 =	vsel vm12, v22, v23;
	v23 =	vand.u32 $0x7FFFFF, v11;
	v20 =	vmul.f32 v20, v17  }
0x68: {  	v10 =	vsub.f32 v10, v7;
	v12 =	vsub.f32 v12, v7;
	v23 =	vor.u32 $0x3F800000, v23  }
0x69: {  	v13 =	vadd.s32 $0xFFFFFF81, v13;
	v26 =	vadd.f32 $1.000000000e+00, v23;
	v20 =	vadd.f32 $3.333333430e-01, v20  }
0x6a: {  	vm14 =	veq.s32 v15, v21;
	v10 =	vmul.f32 $1.442695020e+00, v10;
	v12 =	vmul.f32 $1.442695020e+00, v12  }
0x6b: {  	v16 =	vsub.f32 v16, v7;
	(erf) = vrcp.f32 v26;
	v17 =	vmul.f32 v20, v17  }
0x6c: {  	v14 =	vadd.f32 v14, v14;
	(erf) = vpow2.f32 v10;
	v10 =	vcvt.s32.f32 v13  }
0x6d: {  	v16 =	vmul.f32 $1.442695020e+00, v16;
	(erf) = vpow2.f32 v12;
	v13 =	vadd.f32 $1.000000000e+00, v17  }
0x6e: {  	v12 =	vsub.f32 v18, v7;
	v18 =	vsel vm13, $0x3F800000, v3;
	v10 =	vmul.f32 $6.931471820e-01, v10  }
0x6f: {  	v17 =	vsel vm9, $0x1, v0;
	(erf) = vpow2.f32 v16;
	v13 =	vmul.f32 v13, v14  }
0x70: {  	v24 =	vld.idx.msk [tilespmem:v24+s3+$0x0], $0xffff;
	v12 =	vmul.f32 $1.442695020e+00, v12;
	v14 =	vsel vm10, $0x2, v17;
	v17 =	vsub.f32 v22, v7  }
0x71: {  	v15 =	vmul.f32 v19, v18;
	v10 =	vadd.f32 v13, v10;
	v13 =	vsel vm11, $0x3, v14  }
0x72: {  	s22 =	simm.s32 $0x30;
	v25 =	vsel vm14, $0x3F800000, v3;
	v20 =	vld.idx.msk [tilespmem:v21+s17+$0x0], $0xffff;
	(erf) = vpow2.f32 v12;
	v14 =	vmul.f32 $1.442695020e+00, v17  }
0x73: {  	s26 =	sand.u32 $0x1FF0, s22;
	v12 =	vadd.f32 $-1.000000000e+00, v23;
	v10 =	vadd.f32 v10, v8;
	v8 =	vsel vm12, $0x4, v13  }
0x74: {  	v16 =	vimm.f32 $0.0e+00;
	v22 =	vld [tilespmem:s26+$0x2000];
	v13 =	vpop (erf);
	(erf) = vpow2.f32 v14;
	vm15 =	veq.s32 v8, $0x0  }
0x75: {  	v23 =	vld [tilespmem:s22+$0x0];
	v17 =	vmul.f32 v13, v12;
	v12 =	vsub.f32 v10, v24;
	v10 =	vadd.f32 v15, v3  }
0x76: {  	v14 =	vsel vm15, $0x0, v1;
	v21 =	vpop (erf);
	v13 =	vimm.f32 $0.0e+00;
	v15 =	vimm.f32 $0.0e+00  }
0x77: {  	s24 =	simm.s32 $0x40;
	s25 =	simm.s32 $0x30;
	s23 =	simm.s32 $0xA010;
	v24 =	vld [tilespmem:s26+$0x4000];
	v27 =	vpop (erf);
	v19 =	vmul.f32 v17, v17;
	v26 =	vmul.f32 v12, v20;
	v12 =	vimm.f32 $0.0e+00  }
.LBB2_2:
0x78: {  	p0 =	sne.s32 s24, $0x1FF0;
	v9 =	vadd.f32 v14, v9;
	v28 =	vld [tilespmem:s23+$0x0];
	v13 =	vadd.f32 v25, v13;
	v25 =	vmovc v5;
	v5 =	vmov v14  }
0x79: {  	v21 =	vadd.f32 v27, v21;
	v14 =	vld [tilespmem:s26+$0x6000];
	v29 =	vmul.f32 $1.111111120e-01, v19;
	v16 =	vadd.f32 v26, v16  }
0x7a: {  	v15 =	vadd.f32 v20, v15;
	v12 =	vadd.f32 v18, v12;
	vm0 =	vgt.f32 v22, v23;
	v26 =	vpop (erf)  }
0x7b: {  	v18 =	vld [tilespmem:s26+$0x8000];
	v20 =	vsel vm0, v22, v23;
	v21 =	vadd.f32 v21, v26;
	v26 =	vadd.f32 $1.428571490e-01, v29  }
0x7c: {  	v30 =	vor.u32 s20, v2;
	v29 =	vmov s20;
	s20 =	smov.u32 s21;
	s21 =	smov.u32 s22;
	s22 =	smov.u32 s24;
	vm2 =	vgt.f32 v24, v20;
	v27 =	vpop (erf)  }
0x7d: {  	v20 =	vsel vm2, v24, v20;
	v21 =	vadd.f32 v21, v27;
	v26 =	vmul.f32 v26, v19  }
0x7e: {  	v29 =	vand.u32 $0x1F80, v29;
	v31 =	vshll.u32 v28, $0xD;
	vm3 =	vgt.f32 v14, v20;
	v27 =	vpop (erf)  }
0x7f: {  	v20 =	vsel vm3, v14, v20;
	v21 =	vadd.f32 v21, v27;
	v26 =	vadd.f32 $2.000000030e-01, v26  }
0x80: {  	v27 =	vor.u32 v29, v31;
	v29 =	vand.u32 $0x7F, v30;
	vm1 =	vgt.f32 v18, v20  }
0x81: {  	v30 =	vsel vm1, v18, v20;
	v20 =	vand.u32 $0x7FFFFF, v21;
	v26 =	vmul.f32 v26, v19  }
0x82: {  	v23 =	vsub.f32 v23, v30;
	v24 =	vsub.f32 v24, v30;
	v31 =	vor.u32 $0x3F800000, v20  }
0x83: {  	v27 =	vor.u32 v29, v27;
	v20 =	vadd.f32 $1.000000000e+00, v31;
	v26 =	vadd.f32 $3.333333430e-01, v26  }
0x84: {  	v29 =	vshrl.u32 v11, $0x17;
	v11 =	vmovc v21;
	v22 =	vsub.f32 v22, v30;
	v23 =	vmul.f32 $1.442695020e+00, v23  }
0x85: {  	(erf) = vrcp.f32 v20;
	v20 =	vand.u32 $0xFF, v29;
	v19 =	vmul.f32 v26, v19  }
0x86: {  	v21 =	vmul.f32 $1.442695020e+00, v22;
	(erf) = vpow2.f32 v23;
	v20 =	vadd.s32 $0xFFFFFF81, v20  }
0x87: {  	v17 =	vadd.f32 v17, v17;
	v20 =	vcvt.s32.f32 v20;
	v19 =	vadd.f32 $1.000000000e+00, v19  }
0x88: {  	v22 =	vsel vm0, $0x1, v0;
	v23 =	vmul.f32 $1.442695020e+00, v24;
	(erf) = vpow2.f32 v21  }
0x89: {  	v14 =	vsub.f32 v14, v30;
	v17 =	vmul.f32 v19, v17;
	v19 =	vmul.f32 $6.931471820e-01, v20;
	v24 =	vld.idx.msk [tilespmem:v27+s3+$0x0], $0xffff  }
0x8a: {  	v18 =	vsub.f32 v18, v30;
	vm0 =	vgt.s32 v28, $0x0;
	v21 =	vsel vm2, $0x2, v22  }
0x8b: {  	v14 =	vmul.f32 $1.442695020e+00, v14;
	(erf) = vpow2.f32 v23;
	v22 =	vadd.f32 v17, v19;
	v20 =	vld.idx.msk [tilespmem:v28+s17+$0x0], $0xffff  }
0x8c: {  	v26 =	vmul.f32 $1.442695020e+00, v18;
	v18 =	vsel vm0, $0x3F800000, v3;
	v19 =	vsel vm3, $0x3, v21  }
.Ltmp0:
0x8d: {  	s25 =	sadd.s32 $0x10, s25;
	(erf) = vpow2.f32 v14;
	v14 =	vadd.f32 $-1.000000000e+00, v31;
	v27 =	vadd.f32 v22, v4;
	v4 =	vmovc v7;
	v7 =	vmovc v30;
	(pc) =	sbr.rel @p0 .LBB2_2-.Ltmp0, $4  }
0x8e: {  	s26 =	sand.u32 $0x1FF0, s24;
	vm0 =	veq.s32 v6, v28;
	v28 =	vmul.f32 v25, v18;
	v19 =	vsel vm1, $0x4, v19;
	v23 =	vld [tilespmem:s25+$0x0];
	v17 =	vpop (erf)  }
0x8f: {  	v22 =	vld [tilespmem:s26+$0x2000];
	v21 =	vpop (erf);
	(erf) = vpow2.f32 v26;
	v17 =	vmul.f32 v17, v14;
	v26 =	vsub.f32 v27, v24  }
0x90: {  	v6 =	vmovc v8;
	v25 =	vsel vm0, $0x3F800000, v3;
	vm1 =	veq.s32 v19, $0x0;
	v10 =	vadd.f32 v28, v10;
	v8 =	vmovc v19  }
0x91: {  	s23 =	sadd.s32 $0x10, s23;
	s24 =	sadd.s32 $0x10, s24;
	v14 =	vsel vm1, $0x0, v1;
	v24 =	vld [tilespmem:s26+$0x4000];
	v27 =	vpop (erf);
	v19 =	vmul.f32 v17, v17;
	v26 =	vmul.f32 v26, v20  }
0x92: {  	_ = 	snop  }
0x93: {  	v28 =	vld [tilespmem:s26+$0x6000];
	v21 =	vadd.f32 v27, v21  }
0x94: {  	vm2 =	vgt.f32 v22, v23;
	v63 =	vpop (erf)  }
0x95: {  	v29 =	vld [tilespmem:s26+$0x8000];
	v30 =	vsel vm2, v22, v23;
	v21 =	vadd.f32 v21, v63  }
0x96: {  	vm3 =	vgt.f32 v24, v30;
	v33 =	vpop (erf)  }
0x97: {  	v30 =	vsel vm3, v24, v30;
	v21 =	vadd.f32 v21, v33  }
0x98: {  	vm1 =	vgt.f32 v28, v30;
	v34 =	vpop (erf)  }
0x99: {  	v30 =	vsel vm1, v28, v30;
	v27 =	vadd.f32 v21, v34  }
0x9a: {  	vm0 =	vgt.f32 v29, v30  }
0x9b: {  	v21 =	vsel vm0, v29, v30;
	v35 =	vand.u32 $0x7FFFFF, v27  }
0x9c: {  	v36 =	vsub.f32 v23, v21;
	v30 =	vor.u32 $0x3F800000, v35  }
0x9d: {  	v37 =	vsub.f32 v22, v21;
	v31 =	vadd.f32 $1.000000000e+00, v30  }
0x9e: {  	v23 =	vmul.f32 $1.442695020e+00, v36  }
0x9f: {  	v38 =	vsub.f32 v24, v21;
	v22 =	vmul.f32 $1.442695020e+00, v37;
	(erf) = vrcp.f32 v31  }
0xa0: {  	(erf) = vpow2.f32 v23  }
0xa1: {  	v40 =	vsub.f32 v28, v21;
	v39 =	vmul.f32 $1.442695020e+00, v38;
	(erf) = vpow2.f32 v22;
	_ =	sdelay $0x1  }
0xa2: {  	v41 =	vsub.f32 v29, v21;
	v22 =	vmul.f32 $1.442695020e+00, v40;
	(erf) = vpow2.f32 v39;
	_ =	sdelay $0x1  }
0xa3: {  	v42 =	vmul.f32 $1.442695020e+00, v41;
	(erf) = vpow2.f32 v22;
	_ =	sdelay $0x1  }
0xa4: {  	(erf) = vpow2.f32 v42  }
0xa5: {  	v43 =	vpop (erf)  }
0xa6: {  	v44 =	vpop (erf)  }
0xa7: {  	v45 =	vpop (erf)  }
0xa8: {  	v23 =	vadd.f32 v45, v44  }
0xa9: {  	v46 =	vpop (erf)  }
0xaa: {  	v23 =	vadd.f32 v23, v46  }
0xab: {  	v47 =	vpop (erf)  }
0xac: {  	v23 =	vadd.f32 v23, v47  }
0xad: {  	v48 =	vpop (erf)  }
0xae: {  	v23 =	vadd.f32 v23, v48;
	_ =	sdelay $0x1  }
0xaf: {  	v24 =	vand.u32 $0x7FFFFF, v23  }
0xb0: {  	v24 =	vor.u32 $0x3F800000, v24  }
0xb1: {  	v52 =	vld [tilespmem:s23+$0x0];
	v11 =	vshrl.u32 v11, $0x17;
	v50 =	vadd.f32 $1.000000000e+00, v24  }
0xb2: {  	v13 =	vadd.f32 v25, v13;
	v15 =	vadd.f32 v20, v15;
	s31 =	sadd.s32 $0x10, s23;
	v11 =	vand.u32 $0xFF, v11  }
0xb3: {  	v55 =	vmov s20;
	v62 =	vld [tilespmem:s31+$0x0];
	v11 =	vadd.s32 $0xFFFFFF81, v11;
	(erf) = vrcp.f32 v50  }
0xb4: {  	v56 =	vor.u32 s20, v2;
	v17 =	vadd.f32 v17, v17;
	v11 =	vcvt.s32.f32 v11  }
0xb5: {  	v12 =	vadd.f32 v18, v12;
	v49 =	vmul.f32 $1.111111120e-01, v19;
	v16 =	vadd.f32 v26, v16  }
0xb6: {  	v20 =	vand.u32 $0x1F80, v55;
	v58 =	vshll.u32 v52, $0xD;
	v11 =	vmul.f32 $6.931471820e-01, v11  }
0xb7: {  	vm9 =	vgt.s32 v52, $0x0;
	vm10 =	veq.s32 v6, v52;
	v20 =	vor.u32 v20, v58  }
0xb8: {  	vm12 =	vgt.s32 v62, $0x0;
	vm13 =	veq.s32 v8, v62;
	v28 =	vadd.f32 $1.428571490e-01, v49  }
0xb9: {  	v34 =	vmov s21;
	v27 =	vshrl.u32 v27, $0x17;
	v51 =	vadd.f32 $-1.000000000e+00, v30  }
0xba: {  	s20 =	sadd.s32 $0x10, s31;
	v8 =	vsel vm13, $0x3F800000, v3;
	v27 =	vand.u32 $0xFF, v27;
	v28 =	vmul.f32 v28, v19  }
0xbb: {  	v35 =	vld [tilespmem:s20+$0x0];
	v27 =	vadd.s32 $0xFFFFFF81, v27;
	v22 =	vmul.f32 v43, v51;
	v24 =	vadd.f32 $-1.000000000e+00, v24  }
0xbc: {  	v36 =	vshll.u32 v62, $0xD;
	v37 =	vor.u32 s21, v2;
	v28 =	vadd.f32 $2.000000030e-01, v28;
	v61 =	vpop (erf)  }
0xbd: {  	v38 =	vmov s22;
	v54 =	vmul.f32 v22, v22;
	v24 =	vmul.f32 v61, v24  }
0xbe: {  	v41 =	vsel vm2, $0x1, v0;
	v27 =	vcvt.s32.f32 v27;
	v53 =	vmul.f32 v28, v19  }
0xbf: {  	v26 =	vand.u32 $0x1F80, v38;
	v57 =	vmul.f32 $1.111111120e-01, v54;
	v63 =	vmul.f32 v24, v24  }
0xc0: {  	v40 =	vor.u32 s22, v2;
	vm15 =	vgt.s32 v35, $0x0;
	v25 =	vadd.f32 $3.333333430e-01, v53  }
0xc1: {  	v28 =	vand.u32 $0x7F, v56;
	v60 =	vadd.f32 $1.428571490e-01, v57;
	v33 =	vmul.f32 $1.111111120e-01, v63  }
0xc2: {  	v39 =	vshll.u32 v35, $0xD;
	v56 =	vsel vm12, $0x3F800000, v3;
	v59 =	vmul.f32 v25, v19  }
0xc3: {  	v32 =	vor.u32 v28, v20;
	v25 =	vmul.f32 v60, v54;
	v20 =	vadd.f32 $1.428571490e-01, v33  }
0xc4: {  	v28 =	vand.u32 $0x7F, v37;
	v26 =	vor.u32 v26, v39;
	v19 =	vadd.f32 $1.000000000e+00, v59  }
0xc5: {  	v58 =	vmul.f32 v14, v56;
	v25 =	vadd.f32 $2.000000030e-01, v25;
	v20 =	vmul.f32 v20, v63  }
0xc6: {  	v42 =	vmul.f32 $6.931471820e-01, v27;
	v17 =	vmul.f32 v19, v17;
	v22 =	vadd.f32 v22, v22  }
0xc7: {  	v44 =	vsel vm9, $0x3F800000, v3;
	v19 =	vmul.f32 v25, v54;
	v20 =	vadd.f32 $2.000000030e-01, v20  }
0xc8: {  	v11 =	vadd.f32 v17, v11;
	v17 =	vand.u32 $0x1F80, v34;
	v5 =	vmul.f32 v5, v44  }
0xc9: {  	v17 =	vor.u32 v17, v36;
	v19 =	vadd.f32 $3.333333430e-01, v19;
	v20 =	vmul.f32 v20, v63  }
0xca: {  	v18 =	vld.idx.msk [tilespmem:v32+s3+$0x0], $0xffff;
	v12 =	vadd.f32 v44, v12;
	v17 =	vor.u32 v28, v17;
	v28 =	vand.u32 $0x7F, v40  }
0xcb: {  	v43 =	vld.idx.msk [tilespmem:v52+s17+$0x0], $0xffff;
	v23 =	vshrl.u32 v23, $0x17;
	v19 =	vmul.f32 v19, v54;
	v20 =	vadd.f32 $3.333333430e-01, v20  }
0xcc: {  	v4 =	vadd.f32 v11, v4;
	v26 =	vor.u32 v28, v26;
	v23 =	vand.u32 $0xFF, v23  }
0xcd: {  	v23 =	vadd.s32 $0xFFFFFF81, v23;
	v19 =	vadd.f32 $1.000000000e+00, v19;
	v20 =	vmul.f32 v20, v63  }
0xce: {  	v5 =	vadd.f32 v5, v10;
	v28 =	vsel vm3, $0x2, v41;
	v23 =	vcvt.s32.f32 v23  }
0xcf: {  	v19 =	vmul.f32 v19, v22;
	v24 =	vadd.f32 v24, v24;
	v20 =	vadd.f32 $1.000000000e+00, v20  }
0xd0: {  	v15 =	vadd.f32 v43, v15;
	v28 =	vsel vm1, $0x3, v28;
	v4 =	vsub.f32 v4, v18;
	v45 =	vld.idx.msk [tilespmem:v17+s3+$0x0], $0xffff  }
0xd1: {  	v47 =	vld.idx.msk [tilespmem:v62+s17+$0x0], $0xffff;
	v48 =	vmul.f32 $6.931471820e-01, v23;
	v46 =	vadd.f32 v19, v42;
	v20 =	vmul.f32 v20, v24  }
0xd2: {  	v5 =	vadd.f32 v58, v5;
	v49 =	vsel vm0, $0x4, v28;
	v4 =	vmul.f32 v4, v43;
	v50 =	vld.idx.msk [tilespmem:v26+s3+$0x0], $0xffff  }
0xd3: {  	v53 =	vld.idx.msk [tilespmem:v35+s17+$0x0], $0xffff;
	vm11 =	veq.s32 v49, $0x0;
	v51 =	vadd.f32 v46, v7;
	v52 =	vadd.f32 v20, v48  }
0xd4: {  	vm14 =	veq.s32 v49, v35;
	v55 =	vsel vm11, $0x0, v1;
	v4 =	vadd.f32 v4, v16  }
0xd5: {  	v54 =	vsel vm10, $0x3F800000, v3;
	v6 =	vsub.f32 v51, v45;
	v7 =	vadd.f32 v52, v21  }
0xd6: {  	v59 =	vadd.f32 v47, v15;
	v13 =	vadd.f32 v54, v13;
	v61 =	vsel vm15, $0x3F800000, v3  }
0xd7: {  	v62 =	vmul.f32 v55, v61;
	v6 =	vmul.f32 v6, v47;
	v7 =	vsub.f32 v7, v50  }
0xd8: {  	v60 =	vsel vm14, $0x3F800000, v3;
	v10 =	vadd.f32 v53, v59;
	v8 =	vadd.f32 v8, v13  }
0xd9: {  	v5 =	vadd.f32 v62, v5;
	v4 =	vadd.f32 v6, v4;
	v57 =	vmul.f32 v7, v53  }
0xda: {  	v12 =	vadd.f32 v56, v12;
	[tilespmem:$0xC100] =	vst v10;
	v6 =	vadd.f32 v60, v8  }
0xdb: {  	v9 =	vadd.f32 v14, v9;
	[tilespmem:$0xC300] =	vst v5;
	v4 =	vadd.f32 v57, v4  }
0xdc: {  	[tilespmem:$0xC180] =	vst v6;
	v63 =	vadd.f32 v61, v12  }
0xdd: {  	s19 =	sadd.s32 $0x1, s19;
	[tilespmem:$0xC080] =	vst v4;
	v4 =	vadd.f32 v55, v9  }
0xde: {  	p0 =	sne.s32 s19, s11;
	[tilespmem:$0xC280] =	vst v63  }
.Ltmp1:
0xdf: {  	[tilespmem:$0xC200] =	vst v4;
	(pc) =	sbr.rel @p0 .LBB2_1-.Ltmp1, $4  }
0xe0: {  	[hbm4b:s10+s3] =	stream.linear.scatter [tilespmem:s18], [sflag:$0x1], $0x300, $0x38;
	[tilespmem:$0xC480] =	vst v63  }
0xe1: {  	_ =	swait.ge [sflag:s12], $0x300  }
0xe2: {  	[sflag:s12] =	ssyncset.done $0x0  }
0xe3: {  	[sflag:s12] =	ssyncadd.s32 $0xFFFFFD00  }
0xe4: {  	_ =	sfence.sel $0x180000  }
0xe5: {  	[bflag:$0x0] =	sbarrier.arrive $0xFFFF  }
0xe6: {  	p0 =	sne.s32 s2, $0x0;
	_ =	strace $0x90000047  }
0xe7: {  	s0 =	sadd.s32 @!p0 $0x100000, s0;
	[bflag:$0x2] =	sbarrier.arrive $0xFFFF  }
0xe8: {  	[sflag:s0] =	ssyncadd.tile.s32 @!p0 $0x1;
	_ =	shalt  }
.Lfunc_end2:
_tile_overlayer_lowered:
.L_overlay_start_2:
0xe9: {  	(tag) =	ssettag $0x2  }
0xea: {  	s0 =	rddreg [dreg:$0x0];
	s2 =	stileid.u32  }
0xeb: {  	s1 =	rddreg [dreg:$0x1];
	p0 =	sne.s32 s2, $0x0  }
0xec: {  	s3 =	rddreg [dreg:$0x2];
	[bflag:$0x3] =	sbarrier.arrive $0xFFFF;
	s2 =	simm.s32 @!p0 $0x1C01  }
0xed: {  	[timem:s3], [sflag:s2] =	dma.local @!p0 [hbm:s0], s1  }
0xee: {  	s0 =	simm.s32 @!p0 $0x1  }
0xef: {  	_ =	swait.ge @!p0 [sflag:s0], s1  }
0xf0: {  	s1 =	ssub.s32 @!p0 $0x0, s1;
	[sflag:s0] =	ssyncset.done @!p0 $0x0  }
0xf1: {  	[sflag:s0] =	ssyncadd.s32 @!p0 s1  }
0xf2: {  	[bflag:$0x3] =	sbarrier.arrive $0xFFFF  }
0xf3: {  	_ =	shalt  }

</sc_bundles>
